<compile_context>
chip_gen: v7x
topology: tpu7x:2x2x1
jax: 0.10.2.dev20260603
libtpu: 0.0.44.dev20260713+nightly
codegen_flags: <defaults>
</compile_context>

<pallas_src>
import functools

import jax
import jax.numpy as jnp
from jax import lax
from jax.experimental import pallas as pl
from jax.experimental.pallas import tpu as pltpu
from jax.experimental.pallas import tpu_sc as plsc

NC = 2
NS = 16
NW = NC * NS
NP = 10240
RPT = NP // NS
K = 128
BM = 640
DW = 128


def _sc_mesh():
    return plsc.VectorSubcoreMesh(
        core_axis_name="c", subcore_axis_name="s", num_cores=NC,
        num_subcores=NS)


def _zero_vmem_1d(ref, n):
    def body(i, _):
        ref[pl.ds(i * 16, 16)] = jnp.zeros((16,), jnp.float32)
        return 0
    lax.fori_loop(0, n // 16, body, 0)


def _zero_vmem_2d(ref, rows, cols):
    def body(i, _):
        r = i // (cols // 16)
        j = lax.rem(i, cols // 16)
        ref[r, pl.ds(j * 16, 16)] = jnp.zeros((16,), jnp.float32)
        return 0
    lax.fori_loop(0, rows * (cols // 16), body, 0)


def _wait(src, dst, sem, add=False):
    del add
    pltpu.make_async_copy(src, dst, sem).wait()


def _make_deg_kernel(NB):
    @functools.partial(
        pl.kernel,
        out_type=jax.ShapeDtypeStruct((NC, NP), jnp.float32),
        mesh=_sc_mesh(),
        scratch_types=[
            pltpu.VMEM_SHARED((NP,), jnp.float32),
            pltpu.VMEM((NB, K), jnp.int32),
            pltpu.VMEM((K,), jnp.float32),
            pltpu.VMEM((RPT,), jnp.float32),
            pltpu.SemaphoreType.DMA,
            pltpu.SemaphoreType.DMA,
        ],
    )
    def deg_k(dst2_hbm, out_hbm, acc_s, idx2, ones_v, zbuf, lsem, sem):
        c = lax.axis_index("c")
        s = lax.axis_index("s")
        wid = c * NS + s

        ld = pltpu.async_copy(dst2_hbm.at[pl.ds(wid * NB, NB)], idx2, lsem)
        _zero_vmem_1d(zbuf, RPT)

        def ones(i, _):
            ones_v[pl.ds(i * 16, 16)] = jnp.ones((16,), jnp.float32)
            return 0
        lax.fori_loop(0, K // 16, ones, 0)

        pltpu.sync_copy(zbuf, acc_s.at[pl.ds(s * RPT, RPT)])
        ld.wait()
        plsc.subcore_barrier()

        def body(i, _):
            pltpu.async_copy(ones_v, acc_s.at[idx2.at[i]], sem, add=True)
            return 0
        lax.fori_loop(0, NB, body, 0)

        def drain(i, _):
            _wait(ones_v, acc_s.at[idx2.at[i]], sem, add=True)
            return 0
        lax.fori_loop(0, NB, drain, 0)

        plsc.subcore_barrier()
        pltpu.sync_copy(acc_s.at[pl.ds(s * RPT, RPT)],
                        out_hbm.at[c, pl.ds(s * RPT, RPT)])

    return deg_k


def _make_scatter_kernel(NB, F):
    CH = 2 if F == 128 else 1
    G = NB // CH
    NJ = G // 2

    @functools.partial(
        pl.kernel,
        out_type=jax.ShapeDtypeStruct((NC, NP, F), jnp.float32),
        mesh=_sc_mesh(),
        compiler_params=pltpu.CompilerParams(use_tc_tiling_on_sc=False),
        scratch_types=[
            pltpu.VMEM_SHARED((NP, F), jnp.float32),
            pltpu.VMEM((G, K), jnp.int32),
            pltpu.VMEM((G, K), jnp.int32),
            pltpu.VMEM((K, F), jnp.float32),
            pltpu.VMEM((K, F), jnp.float32),
            pltpu.SemaphoreType.DMA,
            pltpu.SemaphoreType.DMA,
            pltpu.SemaphoreType.DMA,
            pltpu.SemaphoreType.DMA,
            pltpu.SemaphoreType.DMA,
        ],
    )
    def scat_k(h_hbm, src2_hbm, dst2_hbm, out_hbm,
               acc_s, sidx2, didx2, msg0, msg1, lsem, g0, g1, s0, s1):
        c = lax.axis_index("c")
        s = lax.axis_index("s")
        wid = c * NS + s

        pltpu.async_copy(src2_hbm.at[pl.ds(wid * NB, G)], sidx2, lsem)
        pltpu.async_copy(dst2_hbm.at[pl.ds(wid * NB, G)], didx2, lsem)
        _zero_vmem_2d(msg0, K, F)
        for j in range(RPT // K):
            pltpu.async_copy(msg0, acc_s.at[pl.ds(s * RPT + j * K, K)], s0)
        for j in range(RPT // K):
            _wait(msg0, acc_s.at[pl.ds(s * RPT + j * K, K)], s0)
        plsc.subcore_barrier()

        for ch in range(CH):
            row0 = wid * NB + ch * G
            if ch > 0:
                pltpu.async_copy(src2_hbm.at[pl.ds(row0, G)], sidx2, lsem)
                pltpu.async_copy(dst2_hbm.at[pl.ds(row0, G)], didx2, lsem)
            _wait(src2_hbm.at[pl.ds(row0, G)], sidx2, lsem)
            _wait(dst2_hbm.at[pl.ds(row0, G)], didx2, lsem)

            pltpu.async_copy(h_hbm.at[sidx2.at[0]], msg0, g0)

            def pair(j, _):
                i = 2 * j
                _wait(h_hbm.at[sidx2.at[i]], msg0, g0)

                @pl.when(j > 0)
                def _():
                    _wait(msg1, acc_s.at[didx2.at[i - 1]], s1)

                pltpu.async_copy(h_hbm.at[sidx2.at[i + 1]], msg1, g1)
                pltpu.async_copy(msg0, acc_s.at[didx2.at[i]], s0, add=True)
                _wait(h_hbm.at[sidx2.at[i + 1]], msg1, g1)
                _wait(msg0, acc_s.at[didx2.at[i]], s0)

                @pl.when(j < NJ - 1)
                def _():
                    pltpu.async_copy(h_hbm.at[sidx2.at[i + 2]], msg0, g0)

                pltpu.async_copy(msg1, acc_s.at[didx2.at[i + 1]], s1,
                                 add=True)
                return 0
            lax.fori_loop(0, NJ, pair, 0)
            _wait(msg1, acc_s.at[didx2.at[G - 1]], s1)

        plsc.subcore_barrier()
        pltpu.sync_copy(acc_s.at[pl.ds(s * RPT, RPT)],
                        out_hbm.at[c, pl.ds(s * RPT, RPT)])

    return scat_k


def _mm1(XP, W1, counts):
    def body(x_ref, w_ref, cnt_ref, hp_ref, dis_ref):
        deg = cnt_ref[0, :] + cnt_ref[1, :] + 1.0
        dis = lax.rsqrt(deg)
        h = jnp.dot(x_ref[...], w_ref[...],
                    preferred_element_type=jnp.float32)
        hp_ref[...] = h * dis[:, None]
        dis_ref[...] = dis[:, None]

    return pl.pallas_call(
        body,
        grid=(NP // BM,),
        in_specs=[
            pl.BlockSpec((BM, 128), lambda i: (i, 0)),
            pl.BlockSpec((128, 128), lambda i: (0, 0)),
            pl.BlockSpec((NC, BM), lambda i: (0, i)),
        ],
        out_specs=[
            pl.BlockSpec((BM, 128), lambda i: (i, 0)),
            pl.BlockSpec((BM, 1), lambda i: (i, 0)),
        ],
        out_shape=[
            jax.ShapeDtypeStruct((NP, 128), jnp.float32),
            jax.ShapeDtypeStruct((NP, 1), jnp.float32),
        ],
    )(XP, W1, counts)


def _mm2(agg1, h1p, dis, b1, W2):
    def body(a_ref, h_ref, dis_ref, b_ref, w_ref, o_ref):
        dis = dis_ref[...]
        x2 = jnp.maximum(
            dis * (a_ref[0] + a_ref[1] + h_ref[...]) + b_ref[0, :], 0.0)
        h2 = jnp.dot(x2, w_ref[...], preferred_element_type=jnp.float32)
        o_ref[...] = h2 * dis

    return pl.pallas_call(
        body,
        grid=(NP // BM,),
        in_specs=[
            pl.BlockSpec((NC, BM, 128), lambda i: (0, i, 0)),
            pl.BlockSpec((BM, 128), lambda i: (i, 0)),
            pl.BlockSpec((BM, 1), lambda i: (i, 0)),
            pl.BlockSpec((1, 128), lambda i: (0, 0)),
            pl.BlockSpec((128, 64), lambda i: (0, 0)),
        ],
        out_specs=pl.BlockSpec((BM, 64), lambda i: (i, 0)),
        out_shape=jax.ShapeDtypeStruct((NP, 64), jnp.float32),
    )(agg1, h1p, dis, b1, W2)


def _mm3(agg2, h2p, dis, b2, Wc, bc):
    def body(a_ref, h_ref, dis_ref, b_ref, w_ref, bc_ref, o_ref):
        dis = dis_ref[...]
        t = a_ref[0] + a_ref[1] + h_ref[...]
        x3 = jnp.maximum(dis * t + b_ref[0, :], 0.0)
        o_ref[...] = jnp.dot(
            x3, w_ref[...], preferred_element_type=jnp.float32) + bc_ref[0, :]

    return pl.pallas_call(
        body,
        grid=(NP // BM,),
        in_specs=[
            pl.BlockSpec((NC, BM, 64), lambda i: (0, i, 0)),
            pl.BlockSpec((BM, 64), lambda i: (i, 0)),
            pl.BlockSpec((BM, 1), lambda i: (i, 0)),
            pl.BlockSpec((1, 64), lambda i: (0, 0)),
            pl.BlockSpec((64, 16), lambda i: (0, 0)),
            pl.BlockSpec((1, 16), lambda i: (0, 0)),
        ],
        out_specs=pl.BlockSpec((BM, 16), lambda i: (i, 0)),
        out_shape=jax.ShapeDtypeStruct((NP, 16), jnp.float32),
    )(agg2, h2p, dis, b2, Wc, bc)


def _pad_edges(idx, E):
    ept = E // NW
    eptp = pl.cdiv(ept, 2 * K) * 2 * K
    pad = jnp.broadcast_to(
        10000 + jnp.arange(eptp - ept, dtype=jnp.int32) % (NP - 10000),
        (NW, eptp - ept))
    full = jnp.concatenate([idx.reshape(NW, ept), pad], axis=1)
    return full.reshape(NW * (eptp // K), K), eptp // K


def kernel(X, edge_index, W1, b1, W2, b2, Wc, bc):
    N = X.shape[0]
    E = edge_index.shape[1]
    src = edge_index[0].astype(jnp.int32)
    dst = edge_index[1].astype(jnp.int32)
    src2, NB = _pad_edges(src, E)
    dst2, _ = _pad_edges(dst, E)

    XP = jnp.pad(X, ((0, NP - N), (0, 0)))

    counts = _make_deg_kernel(NB)(dst2)
    h1p, dis = _mm1(XP, W1, counts)
    agg1 = _make_scatter_kernel(NB, 128)(h1p, src2, dst2)
    h2p = _mm2(agg1, h1p, dis, b1.reshape(1, -1), W2)
    agg2 = _make_scatter_kernel(NB, 64)(h2p, src2, dst2)
    logits = _mm3(agg2, h2p, dis, b2.reshape(1, -1), Wc, bc.reshape(1, -1))
    return logits[:N]

# --- scband reference (transcript-rebuilt; emitter-appended) ---
"""Pipeline reference for scband-gcn-19327352832215 (READ-ONLY COPY).

The authoritative reference and input builder live on the scoring server;
editing this copy changes nothing except your own understanding.
"""

import jax, jax.numpy as jnp
import numpy as np


def glorot(key, shape):
    limit = jnp.sqrt(6.0 / (shape[0] + shape[1]))
    return jax.random.uniform(key, shape, dtype=jnp.float32, minval=-limit, maxval=limit)


def gcn_conv(x, edge_index, W, b):
    # Faithful PyG GCNConv: add self-loops, symmetric normalization D^-1/2 (A+I) D^-1/2 X W + b
    N = x.shape[0]
    loop = jnp.arange(N, dtype=edge_index.dtype)
    src = jnp.concatenate([edge_index[0], loop])
    dst = jnp.concatenate([edge_index[1], loop])
    deg = jnp.zeros((N,), dtype=x.dtype).at[dst].add(1.0)
    deg_inv_sqrt = jnp.where(deg > 0, 1.0 / jnp.sqrt(deg), 0.0)
    norm = deg_inv_sqrt[src] * deg_inv_sqrt[dst]
    h = x @ W
    msgs = h[src] * norm[:, None]
    out = jnp.zeros((N, W.shape[1]), dtype=x.dtype).at[dst].add(msgs)
    return out + b


def setup_inputs(seed: int = 0) -> dict:
    key = jax.random.key(seed)
    ks = jax.random.split(key, 8)
    N, E = 10000, 320000
    D, H1, H2, C = 128, 128, 64, 16
    X = jax.random.normal(ks[0], (N, D), dtype=jnp.float32)
    edge_index = jax.random.randint(ks[1], (2, E), 0, N)
    W1 = glorot(ks[2], (D, H1))
    b1 = jnp.zeros((H1,), dtype=jnp.float32)
    W2 = glorot(ks[3], (H1, H2))
    b2 = jnp.zeros((H2,), dtype=jnp.float32)
    Wc = glorot(ks[4], (H2, C))
    bc = jnp.zeros((C,), dtype=jnp.float32)
    return {"X": X, "edge_index": edge_index, "W1": W1, "b1": b1, "W2": W2, "b2": b2, "Wc": Wc, "bc": bc}


def reference(X, edge_index, W1, b1, W2, b2, Wc, bc):
    h = jax.nn.relu(gcn_conv(X, edge_index, W1, b1))
    h = jax.nn.relu(gcn_conv(h, edge_index, W2, b2))
    logits = h @ Wc + bc
    return logits

if __name__ == "__main__":
    import jax
    _d = setup_inputs()
    print(jax.jit(kernel)(*tuple(_d.values())))

</pallas_src>

<mosaic_0001>
#map = affine_map<(d0, d1) -> (0, 0)>
module attributes {stable_mosaic.version = 14 : i64} {
  func.func @deg_k(%arg0: i32, %arg1: i32, %arg2: memref<2560x128xi32, #tpu.memory_space<hbm>>, %arg3: memref<2x10240xf32, #tpu.memory_space<hbm>>, %arg4: memref<10240xf32, #tpu.memory_space<vmem_shared>>, %arg5: memref<80x128xi32, #tpu.memory_space<vmem>>, %arg6: memref<128xf32, #tpu.memory_space<vmem>>, %arg7: memref<640xf32, #tpu.memory_space<vmem>>, %arg8: memref<!tpu.dma_semaphore, #tpu.memory_space<semaphore_mem>>, %arg9: memref<!tpu.dma_semaphore, #tpu.memory_space<semaphore_mem>>) attributes {dimension_semantics = [#tpu.dimension_semantics<core_parallel>, #tpu.dimension_semantics<subcore_parallel>], iteration_bounds = array<i64: 2, 16>, scalar_prefetch = 0 : i64, scratch_operands = 6 : i64, tpu.core_type = #tpu.core_type<sc_vector_subcore>, window_params = [{transform_indices = #map}, {transform_indices = #map}]} {
    %mul3A = arith.constant 16 : i32
    %mul3A_0 = arith.muli %arg0, %mul3A : i32
    %add3A = arith.addi %mul3A_0, %arg1 : i32
    %mul3A_1 = arith.constant 80 : i32
    %mul3A_2 = arith.muli %add3A, %mul3A_1 : i32
    %dma_start3A = arith.constant 0 : i32
    %dma_start3A_3 = tpu.memref_slice %arg2[%mul3A_2, %dma_start3A] : memref<2560x128xi32, #tpu.memory_space<hbm>> -> memref<80x128xi32, #tpu.memory_space<hbm>>
    %dma_start3A_4 = arith.constant 0 : i32
    %dma_start3A_5 = tpu.memref_slice %arg2[%mul3A_2, %dma_start3A_4] : memref<2560x128xi32, #tpu.memory_space<hbm>> -> memref<80x128xi32, #tpu.memory_space<hbm>>
    tpu.enqueue_dma source(%dma_start3A_5 : memref<80x128xi32, #tpu.memory_space<hbm>>) target(%arg5 : memref<80x128xi32, #tpu.memory_space<vmem>>) target_semaphore(%arg8 : memref<!tpu.dma_semaphore, #tpu.memory_space<semaphore_mem>>)
    %scan3A = arith.constant 0 : i32
    %scan3A_6 = arith.constant 0 : i32
    %scan3A_7 = arith.constant 40 : i32
    %scan3A_8 = arith.addi %scan3A_6, %scan3A_7 : i32
    %scan3A_9 = arith.constant 1 : i32
    %scan3A_10 = scf.for %scan3A_43 = %scan3A_6 to %scan3A_8 step %scan3A_9 iter_args(%scan3A_44 = %scan3A) -> (i32)  : i32 {
      %broadcast_in_dim3A = arith.constant 0.000000e+00 : f32
      %broadcast_in_dim3A_45 = vector.broadcast %broadcast_in_dim3A : f32 to vector<16xf32>
      %mul3A_46 = arith.constant 16 : i32
      %mul3A_47 = arith.muli %scan3A_43, %mul3A_46 : i32
      %swap3A = arith.index_cast %mul3A_47 : i32 to index
      %swap3A_48 = tpu.vector_load %arg7[%swap3A] {strides = array<i32>} : memref<640xf32, #tpu.memory_space<vmem>>, vector<16xf32>,
      %swap3A_49 = vector.shape_cast %swap3A_48 : vector<16xf32> to vector<16xf32>
      %swap3A_50 = vector.shape_cast %broadcast_in_dim3A_45 : vector<16xf32> to vector<16xf32>
      tpu.vector_store %arg7[%swap3A], %swap3A_50 {strides = array<i32>} : memref<640xf32, #tpu.memory_space<vmem>>, vector<16xf32>,
      %scan3A_51 = arith.constant 0 : i32
      scf.yield %scan3A_51 : i32
    }
    %scan3A_11 = arith.constant 40 : i32
    %scan3A_12 = arith.constant 0 : i32
    %scan3A_13 = arith.constant 0 : i32
    %scan3A_14 = arith.constant 8 : i32
    %scan3A_15 = arith.addi %scan3A_13, %scan3A_14 : i32
    %scan3A_16 = arith.constant 1 : i32
    %scan3A_17 = scf.for %scan3A_43 = %scan3A_13 to %scan3A_15 step %scan3A_16 iter_args(%scan3A_44 = %scan3A_12) -> (i32)  : i32 {
      %broadcast_in_dim3A = arith.constant 1.000000e+00 : f32
      %broadcast_in_dim3A_45 = vector.broadcast %broadcast_in_dim3A : f32 to vector<16xf32>
      %mul3A_46 = arith.constant 16 : i32
      %mul3A_47 = arith.muli %scan3A_43, %mul3A_46 : i32
      %swap3A = arith.index_cast %mul3A_47 : i32 to index
      %swap3A_48 = tpu.vector_load %arg6[%swap3A] {strides = array<i32>} : memref<128xf32, #tpu.memory_space<vmem>>, vector<16xf32>,
      %swap3A_49 = vector.shape_cast %swap3A_48 : vector<16xf32> to vector<16xf32>
      %swap3A_50 = vector.shape_cast %broadcast_in_dim3A_45 : vector<16xf32> to vector<16xf32>
      tpu.vector_store %arg6[%swap3A], %swap3A_50 {strides = array<i32>} : memref<128xf32, #tpu.memory_space<vmem>>, vector<16xf32>,
      %scan3A_51 = arith.constant 0 : i32
      scf.yield %scan3A_51 : i32
    }
    %scan3A_18 = arith.constant 8 : i32
    %mul3A_19 = arith.constant 640 : i32
    %mul3A_20 = arith.muli %arg1, %mul3A_19 : i32
    "tpu.region"() ({
      %run_scoped3A = tpu.sem_alloc : memref<!tpu.dma_semaphore, #tpu.memory_space<semaphore_mem>>
      %dma_start3A_43 = tpu.memref_slice %arg4[%mul3A_20] : memref<10240xf32, #tpu.memory_space<vmem_shared>> -> memref<640xf32, #tpu.memory_space<vmem_shared>>
      %dma_start3A_44 = tpu.memref_slice %arg4[%mul3A_20] : memref<10240xf32, #tpu.memory_space<vmem_shared>> -> memref<640xf32, #tpu.memory_space<vmem_shared>>
      tpu.enqueue_dma source(%arg7 : memref<640xf32, #tpu.memory_space<vmem>>) target(%dma_start3A_44 : memref<640xf32, #tpu.memory_space<vmem_shared>>) target_semaphore(%run_scoped3A : memref<!tpu.dma_semaphore, #tpu.memory_space<semaphore_mem>>)
      %dma_wait3A_45 = tpu.memref_slice %arg4[%mul3A_20] : memref<10240xf32, #tpu.memory_space<vmem_shared>> -> memref<640xf32, #tpu.memory_space<vmem_shared>>
      %dma_wait3A_46 = tpu.memref_slice %arg4[%mul3A_20] : memref<10240xf32, #tpu.memory_space<vmem_shared>> -> memref<640xf32, #tpu.memory_space<vmem_shared>>
      tpu.wait_dma2 semaphore(%run_scoped3A : memref<!tpu.dma_semaphore, #tpu.memory_space<semaphore_mem>>) src(%arg7 : memref<640xf32, #tpu.memory_space<vmem>>) dst(%dma_wait3A_46 : memref<640xf32, #tpu.memory_space<vmem_shared>>)
      tpu.yield
    }) : () -> ()
    %dma_wait3A = arith.constant 0 : i32
    %dma_wait3A_21 = tpu.memref_slice %arg2[%mul3A_2, %dma_wait3A] : memref<2560x128xi32, #tpu.memory_space<hbm>> -> memref<80x128xi32, #tpu.memory_space<hbm>>
    %dma_wait3A_22 = arith.constant 0 : i32
    %dma_wait3A_23 = tpu.memref_slice %arg2[%mul3A_2, %dma_wait3A_22] : memref<2560x128xi32, #tpu.memory_space<hbm>> -> memref<80x128xi32, #tpu.memory_space<hbm>>
    tpu.wait_dma2 semaphore(%arg8 : memref<!tpu.dma_semaphore, #tpu.memory_space<semaphore_mem>>) src(%dma_wait3A_23 : memref<80x128xi32, #tpu.memory_space<hbm>>) dst(%arg5 : memref<80x128xi32, #tpu.memory_space<vmem>>)
    %barrier3A = arith.constant 0 : index
    tpu.barrier barrier_id(%barrier3A)
    %scan3A_24 = arith.constant 0 : i32
    %scan3A_25 = arith.constant 0 : i32
    %scan3A_26 = arith.constant 80 : i32
    %scan3A_27 = arith.addi %scan3A_25, %scan3A_26 : i32
    %scan3A_28 = arith.constant 1 : i32
    %scan3A_29 = scf.for %scan3A_43 = %scan3A_25 to %scan3A_27 step %scan3A_28 iter_args(%scan3A_44 = %scan3A_24) -> (i32)  : i32 {
      %dma_start3A_45 = arith.constant 0 : i32
      %dma_start3A_46 = tpu.memref_slice %arg5[%scan3A_43, %dma_start3A_45] : memref<80x128xi32, #tpu.memory_space<vmem>> -> memref<1x128xi32, #tpu.memory_space<vmem>>
      %dma_start3A_47 = tpu.memref_squeeze %dma_start3A_46 : memref<1x128xi32, #tpu.memory_space<vmem>> -> memref<128xi32, #tpu.memory_space<vmem>>
      %dma_start3A_48 = arith.constant 0 : i32
      %dma_start3A_49 = tpu.memref_slice %arg4[%dma_start3A_48] : memref<10240xf32, #tpu.memory_space<vmem_shared>> -> memref<10240xf32, #tpu.memory_space<vmem_shared>>
      tpu.enqueue_indirect_dma source(%arg6 : memref<128xf32, #tpu.memory_space<vmem>>) target(%dma_start3A_49 : memref<10240xf32, #tpu.memory_space<vmem_shared>>) offsets(%dma_start3A_47 : memref<128xi32, #tpu.memory_space<vmem>>) semaphore(%arg9 : memref<!tpu.dma_semaphore, #tpu.memory_space<semaphore_mem>>) {add = true}
      %scan3A_50 = arith.constant 0 : i32
      scf.yield %scan3A_50 : i32
    }
    %scan3A_30 = arith.constant 80 : i32
    %scan3A_31 = arith.constant 0 : i32
    %scan3A_32 = arith.constant 0 : i32
    %scan3A_33 = arith.constant 80 : i32
    %scan3A_34 = arith.addi %scan3A_32, %scan3A_33 : i32
    %scan3A_35 = arith.constant 1 : i32
    %scan3A_36 = scf.for %scan3A_43 = %scan3A_32 to %scan3A_34 step %scan3A_35 iter_args(%scan3A_44 = %scan3A_31) -> (i32)  : i32 {
      %dma_wait3A_45 = arith.constant 0 : i32
      %dma_wait3A_46 = tpu.memref_slice %arg5[%scan3A_43, %dma_wait3A_45] : memref<80x128xi32, #tpu.memory_space<vmem>> -> memref<1x128xi32, #tpu.memory_space<vmem>>
      %dma_wait3A_47 = tpu.memref_squeeze %dma_wait3A_46 : memref<1x128xi32, #tpu.memory_space<vmem>> -> memref<128xi32, #tpu.memory_space<vmem>>
      %dma_wait3A_48 = arith.constant 0 : i32
      %dma_wait3A_49 = tpu.memref_slice %arg4[%dma_wait3A_48] : memref<10240xf32, #tpu.memory_space<vmem_shared>> -> memref<10240xf32, #tpu.memory_space<vmem_shared>>
      tpu.wait_indirect_dma semaphore(%arg9 : memref<!tpu.dma_semaphore, #tpu.memory_space<semaphore_mem>>) src(%arg6 : memref<128xf32, #tpu.memory_space<vmem>>) dst(%dma_wait3A_49 : memref<10240xf32, #tpu.memory_space<vmem_shared>>)
      %scan3A_50 = arith.constant 0 : i32
      scf.yield %scan3A_50 : i32
    }
    %scan3A_37 = arith.constant 80 : i32
    %barrier3A_38 = arith.constant 0 : index
    tpu.barrier barrier_id(%barrier3A_38)
    %mul3A_39 = arith.constant 640 : i32
    %mul3A_40 = arith.muli %arg1, %mul3A_39 : i32
    %mul3A_41 = arith.constant 640 : i32
    %mul3A_42 = arith.muli %arg1, %mul3A_41 : i32
    "tpu.region"() ({
      %run_scoped3A = tpu.sem_alloc : memref<!tpu.dma_semaphore, #tpu.memory_space<semaphore_mem>>
      %dma_start3A_43 = tpu.memref_slice %arg3[%arg0, %mul3A_42] : memref<2x10240xf32, #tpu.memory_space<hbm>> -> memref<1x640xf32, #tpu.memory_space<hbm>>
      %dma_start3A_44 = tpu.memref_squeeze %dma_start3A_43 : memref<1x640xf32, #tpu.memory_space<hbm>> -> memref<640xf32, #tpu.memory_space<hbm>>
      %dma_start3A_45 = tpu.memref_slice %arg4[%mul3A_40] : memref<10240xf32, #tpu.memory_space<vmem_shared>> -> memref<640xf32, #tpu.memory_space<vmem_shared>>
      tpu.enqueue_dma source(%dma_start3A_45 : memref<640xf32, #tpu.memory_space<vmem_shared>>) target(%dma_start3A_44 : memref<640xf32, #tpu.memory_space<hbm>>) target_semaphore(%run_scoped3A : memref<!tpu.dma_semaphore, #tpu.memory_space<semaphore_mem>>)
      %dma_wait3A_46 = tpu.memref_slice %arg3[%arg0, %mul3A_42] : memref<2x10240xf32, #tpu.memory_space<hbm>> -> memref<1x640xf32, #tpu.memory_space<hbm>>
      %dma_wait3A_47 = tpu.memref_squeeze %dma_wait3A_46 : memref<1x640xf32, #tpu.memory_space<hbm>> -> memref<640xf32, #tpu.memory_space<hbm>>
      %dma_wait3A_48 = tpu.memref_slice %arg4[%mul3A_40] : memref<10240xf32, #tpu.memory_space<vmem_shared>> -> memref<640xf32, #tpu.memory_space<vmem_shared>>
      tpu.wait_dma2 semaphore(%run_scoped3A : memref<!tpu.dma_semaphore, #tpu.memory_space<semaphore_mem>>) src(%dma_wait3A_48 : memref<640xf32, #tpu.memory_space<vmem_shared>>) dst(%dma_wait3A_47 : memref<640xf32, #tpu.memory_space<hbm>>)
      tpu.yield
    }) : () -> ()
    return
  }
}

#map = affine_map<(d0, d1) -> (0, 0)>
#map1 = affine_map<(d0, d1) -> (0, 0, 0)>
module attributes {stable_mosaic.version = 14 : i64} {
  func.func @scat_k(%arg0: i32, %arg1: i32, %arg2: memref<10240x128xf32, #tpu.memory_space<hbm>>, %arg3: memref<2560x128xi32, #tpu.memory_space<hbm>>, %arg4: memref<2560x128xi32, #tpu.memory_space<hbm>>, %arg5: memref<2x10240x128xf32, #tpu.memory_space<hbm>>, %arg6: memref<10240x128xf32, #tpu.memory_space<vmem_shared>>, %arg7: memref<40x128xi32, #tpu.memory_space<vmem>>, %arg8: memref<40x128xi32, #tpu.memory_space<vmem>>, %arg9: memref<128x128xf32, #tpu.memory_space<vmem>>, %arg10: memref<128x128xf32, #tpu.memory_space<vmem>>, %arg11: memref<!tpu.dma_semaphore, #tpu.memory_space<semaphore_mem>>, %arg12: memref<!tpu.dma_semaphore, #tpu.memory_space<semaphore_mem>>, %arg13: memref<!tpu.dma_semaphore, #tpu.memory_space<semaphore_mem>>, %arg14: memref<!tpu.dma_semaphore, #tpu.memory_space<semaphore_mem>>, %arg15: memref<!tpu.dma_semaphore, #tpu.memory_space<semaphore_mem>>) attributes {dimension_semantics = [#tpu.dimension_semantics<core_parallel>, #tpu.dimension_semantics<subcore_parallel>], iteration_bounds = array<i64: 2, 16>, scalar_prefetch = 0 : i64, scratch_operands = 10 : i64, tpu.core_type = #tpu.core_type<sc_vector_subcore>, window_params = [{transform_indices = #map}, {transform_indices = #map}, {transform_indices = #map}, {transform_indices = #map1}]} {
    %mul3A = arith.constant 16 : i32
    %mul3A_0 = arith.muli %arg0, %mul3A : i32
    %add3A = arith.addi %mul3A_0, %arg1 : i32
    %mul3A_1 = arith.constant 80 : i32
    %mul3A_2 = arith.muli %add3A, %mul3A_1 : i32
    %dma_start3A = arith.constant 0 : i32
    %dma_start3A_3 = tpu.memref_slice %arg3[%mul3A_2, %dma_start3A] : memref<2560x128xi32, #tpu.memory_space<hbm>> -> memref<40x128xi32, #tpu.memory_space<hbm>>
    %dma_start3A_4 = arith.constant 0 : i32
    %dma_start3A_5 = tpu.memref_slice %arg3[%mul3A_2, %dma_start3A_4] : memref<2560x128xi32, #tpu.memory_space<hbm>> -> memref<40x128xi32, #tpu.memory_space<hbm>>
    tpu.enqueue_dma source(%dma_start3A_5 : memref<40x128xi32, #tpu.memory_space<hbm>>) target(%arg7 : memref<40x128xi32, #tpu.memory_space<vmem>>) target_semaphore(%arg11 : memref<!tpu.dma_semaphore, #tpu.memory_space<semaphore_mem>>)
    %mul3A_6 = arith.constant 80 : i32
    %mul3A_7 = arith.muli %add3A, %mul3A_6 : i32
    %dma_start3A_8 = arith.constant 0 : i32
    %dma_start3A_9 = tpu.memref_slice %arg4[%mul3A_7, %dma_start3A_8] : memref<2560x128xi32, #tpu.memory_space<hbm>> -> memref<40x128xi32, #tpu.memory_space<hbm>>
    %dma_start3A_10 = arith.constant 0 : i32
    %dma_start3A_11 = tpu.memref_slice %arg4[%mul3A_7, %dma_start3A_10] : memref<2560x128xi32, #tpu.memory_space<hbm>> -> memref<40x128xi32, #tpu.memory_space<hbm>>
    tpu.enqueue_dma source(%dma_start3A_11 : memref<40x128xi32, #tpu.memory_space<hbm>>) target(%arg8 : memref<40x128xi32, #tpu.memory_space<vmem>>) target_semaphore(%arg11 : memref<!tpu.dma_semaphore, #tpu.memory_space<semaphore_mem>>)
    %scan3A = arith.constant 0 : i32
    %scan3A_12 = arith.constant 0 : i32
    %scan3A_13 = arith.constant 1024 : i32
    %scan3A_14 = arith.addi %scan3A_12, %scan3A_13 : i32
    %scan3A_15 = arith.constant 1 : i32
    %scan3A_16 = scf.for %scan3A_176 = %scan3A_12 to %scan3A_14 step %scan3A_15 iter_args(%scan3A_177 = %scan3A) -> (i32)  : i32 {
      %jit3A = arith.constant 8 : i32
      %div3A = arith.divsi %scan3A_176, %jit3A : i32
      %sign3A = arith.constant 0 : i32
      %sign3A_178 = arith.cmpi sgt, %scan3A_176, %sign3A : i32
      %sign3A_179 = arith.extui %sign3A_178 : i1 to i32
      %sign3A_180 = arith.constant 0 : i32
      %sign3A_181 = arith.cmpi slt, %scan3A_176, %sign3A_180 : i32
      %sign3A_182 = arith.extui %sign3A_181 : i1 to i32
      %sign3A_183 = arith.subi %sign3A_179, %sign3A_182 : i32
      %sign3A_184 = arith.constant 0 : i32
      %sign3A_185 = arith.cmpi sgt, %jit3A, %sign3A_184 : i32
      %sign3A_186 = arith.extui %sign3A_185 : i1 to i32
      %sign3A_187 = arith.constant 0 : i32
      %sign3A_188 = arith.cmpi slt, %jit3A, %sign3A_187 : i32
      %sign3A_189 = arith.extui %sign3A_188 : i1 to i32
      %sign3A_190 = arith.subi %sign3A_186, %sign3A_189 : i32
      %ne3A = arith.cmpi ne, %sign3A_183, %sign3A_190 : i32
      %rem3A = arith.remsi %scan3A_176, %jit3A : i32
      %ne3A_191 = arith.constant 0 : i32
      %ne3A_192 = arith.cmpi ne, %rem3A, %ne3A_191 : i32
      %and3A = arith.andi %ne3A, %ne3A_192 : i1
      %sub3A = arith.constant 1 : i32
      %sub3A_193 = arith.subi %div3A, %sub3A : i32
      %select_n3A = arith.select %and3A, %sub3A_193, %div3A : i32
      %rem3A_194 = arith.constant 8 : i32
      %rem3A_195 = arith.remsi %scan3A_176, %rem3A_194 : i32
      %broadcast_in_dim3A = arith.constant 0.000000e+00 : f32
      %broadcast_in_dim3A_196 = vector.broadcast %broadcast_in_dim3A : f32 to vector<16xf32>
      %mul3A_197 = arith.constant 16 : i32
      %mul3A_198 = arith.muli %rem3A_195, %mul3A_197 : i32
      %swap3A = arith.index_cast %select_n3A : i32 to index
      %swap3A_199 = arith.index_cast %mul3A_198 : i32 to index
      %swap3A_200 = tpu.vector_load %arg9[%swap3A, %swap3A_199] {strides = array<i32>} : memref<128x128xf32, #tpu.memory_space<vmem>>, vector<1x16xf32>,
      %swap3A_201 = vector.shape_cast %swap3A_200 : vector<1x16xf32> to vector<16xf32>
      %swap3A_202 = vector.shape_cast %broadcast_in_dim3A_196 : vector<16xf32> to vector<1x16xf32>
      tpu.vector_store %arg9[%swap3A, %swap3A_199], %swap3A_202 {strides = array<i32>} : memref<128x128xf32, #tpu.memory_space<vmem>>, vector<1x16xf32>,
      %scan3A_203 = arith.constant 0 : i32
      scf.yield %scan3A_203 : i32
    }
    %scan3A_17 = arith.constant 1024 : i32
    %mul3A_18 = arith.constant 640 : i32
    %mul3A_19 = arith.muli %arg1, %mul3A_18 : i32
    %add3A_20 = arith.constant 0 : i32
    %add3A_21 = arith.addi %mul3A_19, %add3A_20 : i32
    %dma_start3A_22 = arith.constant 0 : i32
    %dma_start3A_23 = tpu.memref_slice %arg6[%add3A_21, %dma_start3A_22] : memref<10240x128xf32, #tpu.memory_space<vmem_shared>> -> memref<128x128xf32, #tpu.memory_space<vmem_shared>>
    %dma_start3A_24 = arith.constant 0 : i32
    %dma_start3A_25 = tpu.memref_slice %arg6[%add3A_21, %dma_start3A_24] : memref<10240x128xf32, #tpu.memory_space<vmem_shared>> -> memref<128x128xf32, #tpu.memory_space<vmem_shared>>
    tpu.enqueue_dma source(%arg9 : memref<128x128xf32, #tpu.memory_space<vmem>>) target(%dma_start3A_25 : memref<128x128xf32, #tpu.memory_space<vmem_shared>>) target_semaphore(%arg14 : memref<!tpu.dma_semaphore, #tpu.memory_space<semaphore_mem>>)
    %mul3A_26 = arith.constant 640 : i32
    %mul3A_27 = arith.muli %arg1, %mul3A_26 : i32
    %add3A_28 = arith.constant 128 : i32
    %add3A_29 = arith.addi %mul3A_27, %add3A_28 : i32
    %dma_start3A_30 = arith.constant 0 : i32
    %dma_start3A_31 = tpu.memref_slice %arg6[%add3A_29, %dma_start3A_30] : memref<10240x128xf32, #tpu.memory_space<vmem_shared>> -> memref<128x128xf32, #tpu.memory_space<vmem_shared>>
    %dma_start3A_32 = arith.constant 0 : i32
    %dma_start3A_33 = tpu.memref_slice %arg6[%add3A_29, %dma_start3A_32] : memref<10240x128xf32, #tpu.memory_space<vmem_shared>> -> memref<128x128xf32, #tpu.memory_space<vmem_shared>>
    tpu.enqueue_dma source(%arg9 : memref<128x128xf32, #tpu.memory_space<vmem>>) target(%dma_start3A_33 : memref<128x128xf32, #tpu.memory_space<vmem_shared>>) target_semaphore(%arg14 : memref<!tpu.dma_semaphore, #tpu.memory_space<semaphore_mem>>)
    %mul3A_34 = arith.constant 640 : i32
    %mul3A_35 = arith.muli %arg1, %mul3A_34 : i32
    %add3A_36 = arith.constant 256 : i32
    %add3A_37 = arith.addi %mul3A_35, %add3A_36 : i32
    %dma_start3A_38 = arith.constant 0 : i32
    %dma_start3A_39 = tpu.memref_slice %arg6[%add3A_37, %dma_start3A_38] : memref<10240x128xf32, #tpu.memory_space<vmem_shared>> -> memref<128x128xf32, #tpu.memory_space<vmem_shared>>
    %dma_start3A_40 = arith.constant 0 : i32
    %dma_start3A_41 = tpu.memref_slice %arg6[%add3A_37, %dma_start3A_40] : memref<10240x128xf32, #tpu.memory_space<vmem_shared>> -> memref<128x128xf32, #tpu.memory_space<vmem_shared>>
    tpu.enqueue_dma source(%arg9 : memref<128x128xf32, #tpu.memory_space<vmem>>) target(%dma_start3A_41 : memref<128x128xf32, #tpu.memory_space<vmem_shared>>) target_semaphore(%arg14 : memref<!tpu.dma_semaphore, #tpu.memory_space<semaphore_mem>>)
    %mul3A_42 = arith.constant 640 : i32
    %mul3A_43 = arith.muli %arg1, %mul3A_42 : i32
    %add3A_44 = arith.constant 384 : i32
    %add3A_45 = arith.addi %mul3A_43, %add3A_44 : i32
    %dma_start3A_46 = arith.constant 0 : i32
    %dma_start3A_47 = tpu.memref_slice %arg6[%add3A_45, %dma_start3A_46] : memref<10240x128xf32, #tpu.memory_space<vmem_shared>> -> memref<128x128xf32, #tpu.memory_space<vmem_shared>>
    %dma_start3A_48 = arith.constant 0 : i32
    %dma_start3A_49 = tpu.memref_slice %arg6[%add3A_45, %dma_start3A_48] : memref<10240x128xf32, #tpu.memory_space<vmem_shared>> -> memref<128x128xf32, #tpu.memory_space<vmem_shared>>
    tpu.enqueue_dma source(%arg9 : memref<128x128xf32, #tpu.memory_space<vmem>>) target(%dma_start3A_49 : memref<128x128xf32, #tpu.memory_space<vmem_shared>>) target_semaphore(%arg14 : memref<!tpu.dma_semaphore, #tpu.memory_space<semaphore_mem>>)
    %mul3A_50 = arith.constant 640 : i32
    %mul3A_51 = arith.muli %arg1, %mul3A_50 : i32
    %add3A_52 = arith.constant 512 : i32
    %add3A_53 = arith.addi %mul3A_51, %add3A_52 : i32
    %dma_start3A_54 = arith.constant 0 : i32
    %dma_start3A_55 = tpu.memref_slice %arg6[%add3A_53, %dma_start3A_54] : memref<10240x128xf32, #tpu.memory_space<vmem_shared>> -> memref<128x128xf32, #tpu.memory_space<vmem_shared>>
    %dma_start3A_56 = arith.constant 0 : i32
    %dma_start3A_57 = tpu.memref_slice %arg6[%add3A_53, %dma_start3A_56] : memref<10240x128xf32, #tpu.memory_space<vmem_shared>> -> memref<128x128xf32, #tpu.memory_space<vmem_shared>>
    tpu.enqueue_dma source(%arg9 : memref<128x128xf32, #tpu.memory_space<vmem>>) target(%dma_start3A_57 : memref<128x128xf32, #tpu.memory_space<vmem_shared>>) target_semaphore(%arg14 : memref<!tpu.dma_semaphore, #tpu.memory_space<semaphore_mem>>)
    %mul3A_58 = arith.constant 640 : i32
    %mul3A_59 = arith.muli %arg1, %mul3A_58 : i32
    %add3A_60 = arith.constant 0 : i32
    %add3A_61 = arith.addi %mul3A_59, %add3A_60 : i32
    %dma_wait3A = arith.constant 0 : i32
    %dma_wait3A_62 = tpu.memref_slice %arg6[%add3A_61, %dma_wait3A] : memref<10240x128xf32, #tpu.memory_space<vmem_shared>> -> memref<128x128xf32, #tpu.memory_space<vmem_shared>>
    %dma_wait3A_63 = arith.constant 0 : i32
    %dma_wait3A_64 = tpu.memref_slice %arg6[%add3A_61, %dma_wait3A_63] : memref<10240x128xf32, #tpu.memory_space<vmem_shared>> -> memref<128x128xf32, #tpu.memory_space<vmem_shared>>
    tpu.wait_dma2 semaphore(%arg14 : memref<!tpu.dma_semaphore, #tpu.memory_space<semaphore_mem>>) src(%arg9 : memref<128x128xf32, #tpu.memory_space<vmem>>) dst(%dma_wait3A_64 : memref<128x128xf32, #tpu.memory_space<vmem_shared>>)
    %mul3A_65 = arith.constant 640 : i32
    %mul3A_66 = arith.muli %arg1, %mul3A_65 : i32
    %add3A_67 = arith.constant 128 : i32
    %add3A_68 = arith.addi %mul3A_66, %add3A_67 : i32
    %dma_wait3A_69 = arith.constant 0 : i32
    %dma_wait3A_70 = tpu.memref_slice %arg6[%add3A_68, %dma_wait3A_69] : memref<10240x128xf32, #tpu.memory_space<vmem_shared>> -> memref<128x128xf32, #tpu.memory_space<vmem_shared>>
    %dma_wait3A_71 = arith.constant 0 : i32
    %dma_wait3A_72 = tpu.memref_slice %arg6[%add3A_68, %dma_wait3A_71] : memref<10240x128xf32, #tpu.memory_space<vmem_shared>> -> memref<128x128xf32, #tpu.memory_space<vmem_shared>>
    tpu.wait_dma2 semaphore(%arg14 : memref<!tpu.dma_semaphore, #tpu.memory_space<semaphore_mem>>) src(%arg9 : memref<128x128xf32, #tpu.memory_space<vmem>>) dst(%dma_wait3A_72 : memref<128x128xf32, #tpu.memory_space<vmem_shared>>)
    %mul3A_73 = arith.constant 640 : i32
    %mul3A_74 = arith.muli %arg1, %mul3A_73 : i32
    %add3A_75 = arith.constant 256 : i32
    %add3A_76 = arith.addi %mul3A_74, %add3A_75 : i32
    %dma_wait3A_77 = arith.constant 0 : i32
    %dma_wait3A_78 = tpu.memref_slice %arg6[%add3A_76, %dma_wait3A_77] : memref<10240x128xf32, #tpu.memory_space<vmem_shared>> -> memref<128x128xf32, #tpu.memory_space<vmem_shared>>
    %dma_wait3A_79 = arith.constant 0 : i32
    %dma_wait3A_80 = tpu.memref_slice %arg6[%add3A_76, %dma_wait3A_79] : memref<10240x128xf32, #tpu.memory_space<vmem_shared>> -> memref<128x128xf32, #tpu.memory_space<vmem_shared>>
    tpu.wait_dma2 semaphore(%arg14 : memref<!tpu.dma_semaphore, #tpu.memory_space<semaphore_mem>>) src(%arg9 : memref<128x128xf32, #tpu.memory_space<vmem>>) dst(%dma_wait3A_80 : memref<128x128xf32, #tpu.memory_space<vmem_shared>>)
    %mul3A_81 = arith.constant 640 : i32
    %mul3A_82 = arith.muli %arg1, %mul3A_81 : i32
    %add3A_83 = arith.constant 384 : i32
    %add3A_84 = arith.addi %mul3A_82, %add3A_83 : i32
    %dma_wait3A_85 = arith.constant 0 : i32
    %dma_wait3A_86 = tpu.memref_slice %arg6[%add3A_84, %dma_wait3A_85] : memref<10240x128xf32, #tpu.memory_space<vmem_shared>> -> memref<128x128xf32, #tpu.memory_space<vmem_shared>>
    %dma_wait3A_87 = arith.constant 0 : i32
    %dma_wait3A_88 = tpu.memref_slice %arg6[%add3A_84, %dma_wait3A_87] : memref<10240x128xf32, #tpu.memory_space<vmem_shared>> -> memref<128x128xf32, #tpu.memory_space<vmem_shared>>
    tpu.wait_dma2 semaphore(%arg14 : memref<!tpu.dma_semaphore, #tpu.memory_space<semaphore_mem>>) src(%arg9 : memref<128x128xf32, #tpu.memory_space<vmem>>) dst(%dma_wait3A_88 : memref<128x128xf32, #tpu.memory_space<vmem_shared>>)
    %mul3A_89 = arith.constant 640 : i32
    %mul3A_90 = arith.muli %arg1, %mul3A_89 : i32
    %add3A_91 = arith.constant 512 : i32
    %add3A_92 = arith.addi %mul3A_90, %add3A_91 : i32
    %dma_wait3A_93 = arith.constant 0 : i32
    %dma_wait3A_94 = tpu.memref_slice %arg6[%add3A_92, %dma_wait3A_93] : memref<10240x128xf32, #tpu.memory_space<vmem_shared>> -> memref<128x128xf32, #tpu.memory_space<vmem_shared>>
    %dma_wait3A_95 = arith.constant 0 : i32
    %dma_wait3A_96 = tpu.memref_slice %arg6[%add3A_92, %dma_wait3A_95] : memref<10240x128xf32, #tpu.memory_space<vmem_shared>> -> memref<128x128xf32, #tpu.memory_space<vmem_shared>>
    tpu.wait_dma2 semaphore(%arg14 : memref<!tpu.dma_semaphore, #tpu.memory_space<semaphore_mem>>) src(%arg9 : memref<128x128xf32, #tpu.memory_space<vmem>>) dst(%dma_wait3A_96 : memref<128x128xf32, #tpu.memory_space<vmem_shared>>)
    %barrier3A = arith.constant 0 : index
    tpu.barrier barrier_id(%barrier3A)
    %mul3A_97 = arith.constant 80 : i32
    %mul3A_98 = arith.muli %add3A, %mul3A_97 : i32
    %add3A_99 = arith.constant 0 : i32
    %add3A_100 = arith.addi %mul3A_98, %add3A_99 : i32
    %dma_wait3A_101 = arith.constant 0 : i32
    %dma_wait3A_102 = tpu.memref_slice %arg3[%add3A_100, %dma_wait3A_101] : memref<2560x128xi32, #tpu.memory_space<hbm>> -> memref<40x128xi32, #tpu.memory_space<hbm>>
    %dma_wait3A_103 = arith.constant 0 : i32
    %dma_wait3A_104 = tpu.memref_slice %arg3[%add3A_100, %dma_wait3A_103] : memref<2560x128xi32, #tpu.memory_space<hbm>> -> memref<40x128xi32, #tpu.memory_space<hbm>>
    tpu.wait_dma2 semaphore(%arg11 : memref<!tpu.dma_semaphore, #tpu.memory_space<semaphore_mem>>) src(%dma_wait3A_104 : memref<40x128xi32, #tpu.memory_space<hbm>>) dst(%arg7 : memref<40x128xi32, #tpu.memory_space<vmem>>)
    %dma_wait3A_105 = arith.constant 0 : i32
    %dma_wait3A_106 = tpu.memref_slice %arg4[%add3A_100, %dma_wait3A_105] : memref<2560x128xi32, #tpu.memory_space<hbm>> -> memref<40x128xi32, #tpu.memory_space<hbm>>
    %dma_wait3A_107 = arith.constant 0 : i32
    %dma_wait3A_108 = tpu.memref_slice %arg4[%add3A_100, %dma_wait3A_107] : memref<2560x128xi32, #tpu.memory_space<hbm>> -> memref<40x128xi32, #tpu.memory_space<hbm>>
    tpu.wait_dma2 semaphore(%arg11 : memref<!tpu.dma_semaphore, #tpu.memory_space<semaphore_mem>>) src(%dma_wait3A_108 : memref<40x128xi32, #tpu.memory_space<hbm>>) dst(%arg8 : memref<40x128xi32, #tpu.memory_space<vmem>>)
    %dma_start3A_109 = arith.constant 0 : i32
    %dma_start3A_110 = arith.constant 0 : i32
    %dma_start3A_111 = tpu.memref_slice %arg7[%dma_start3A_109, %dma_start3A_110] : memref<40x128xi32, #tpu.memory_space<vmem>> -> memref<1x128xi32, #tpu.memory_space<vmem>>
    %dma_start3A_112 = tpu.memref_squeeze %dma_start3A_111 : memref<1x128xi32, #tpu.memory_space<vmem>> -> memref<128xi32, #tpu.memory_space<vmem>>
    %dma_start3A_113 = arith.constant 0 : i32
    %dma_start3A_114 = arith.constant 0 : i32
    %dma_start3A_115 = tpu.memref_slice %arg2[%dma_start3A_113, %dma_start3A_114] : memref<10240x128xf32, #tpu.memory_space<hbm>> -> memref<10240x128xf32, #tpu.memory_space<hbm>>
    tpu.enqueue_indirect_dma source(%dma_start3A_115 : memref<10240x128xf32, #tpu.memory_space<hbm>>) target(%arg9 : memref<128x128xf32, #tpu.memory_space<vmem>>) offsets(%dma_start3A_112 : memref<128xi32, #tpu.memory_space<vmem>>) semaphore(%arg12 : memref<!tpu.dma_semaphore, #tpu.memory_space<semaphore_mem>>)
    %scan3A_116 = arith.constant 0 : i32
    %scan3A_117 = arith.constant 0 : i32
    %scan3A_118 = arith.constant 20 : i32
    %scan3A_119 = arith.addi %scan3A_117, %scan3A_118 : i32
    %scan3A_120 = arith.constant 1 : i32
    %scan3A_121 = scf.for %scan3A_176 = %scan3A_117 to %scan3A_119 step %scan3A_120 iter_args(%scan3A_177 = %scan3A_116) -> (i32)  : i32 {
      %mul3A_178 = arith.constant 2 : i32
      %mul3A_179 = arith.muli %mul3A_178, %scan3A_176 : i32
      %dma_wait3A_180 = arith.constant 0 : i32
      %dma_wait3A_181 = tpu.memref_slice %arg7[%mul3A_179, %dma_wait3A_180] : memref<40x128xi32, #tpu.memory_space<vmem>> -> memref<1x128xi32, #tpu.memory_space<vmem>>
      %dma_wait3A_182 = tpu.memref_squeeze %dma_wait3A_181 : memref<1x128xi32, #tpu.memory_space<vmem>> -> memref<128xi32, #tpu.memory_space<vmem>>
      %dma_wait3A_183 = arith.constant 0 : i32
      %dma_wait3A_184 = arith.constant 0 : i32
      %dma_wait3A_185 = tpu.memref_slice %arg2[%dma_wait3A_183, %dma_wait3A_184] : memref<10240x128xf32, #tpu.memory_space<hbm>> -> memref<10240x128xf32, #tpu.memory_space<hbm>>
      tpu.wait_indirect_dma semaphore(%arg12 : memref<!tpu.dma_semaphore, #tpu.memory_space<semaphore_mem>>) src(%dma_wait3A_185 : memref<10240x128xf32, #tpu.memory_space<hbm>>) dst(%arg9 : memref<128x128xf32, #tpu.memory_space<vmem>>)
      %gt3A = arith.constant 0 : i32
      %gt3A_186 = arith.cmpi sgt, %scan3A_176, %gt3A : i32
      %convert_element_type3A = arith.extui %gt3A_186 : i1 to i32
      %cond3A = arith.constant 0 : i32
      %cond3A_187 = arith.cmpi ne, %convert_element_type3A, %cond3A : i32
      scf.if %cond3A_187 {
        %sub3A = arith.constant 1 : i32
        %sub3A_229 = arith.subi %mul3A_179, %sub3A : i32
        %dma_wait3A_230 = arith.constant 0 : i32
        %dma_wait3A_231 = tpu.memref_slice %arg8[%sub3A_229, %dma_wait3A_230] : memref<40x128xi32, #tpu.memory_space<vmem>> -> memref<1x128xi32, #tpu.memory_space<vmem>>
        %dma_wait3A_232 = tpu.memref_squeeze %dma_wait3A_231 : memref<1x128xi32, #tpu.memory_space<vmem>> -> memref<128xi32, #tpu.memory_space<vmem>>
        %dma_wait3A_233 = arith.constant 0 : i32
        %dma_wait3A_234 = arith.constant 0 : i32
        %dma_wait3A_235 = tpu.memref_slice %arg6[%dma_wait3A_233, %dma_wait3A_234] : memref<10240x128xf32, #tpu.memory_space<vmem_shared>> -> memref<10240x128xf32, #tpu.memory_space<vmem_shared>>
        tpu.wait_indirect_dma semaphore(%arg15 : memref<!tpu.dma_semaphore, #tpu.memory_space<semaphore_mem>>) src(%arg10 : memref<128x128xf32, #tpu.memory_space<vmem>>) dst(%dma_wait3A_235 : memref<10240x128xf32, #tpu.memory_space<vmem_shared>>)
      } else {
      }
      %add3A_188 = arith.constant 1 : i32
      %add3A_189 = arith.addi %mul3A_179, %add3A_188 : i32
      %dma_start3A_190 = arith.constant 0 : i32
      %dma_start3A_191 = tpu.memref_slice %arg7[%add3A_189, %dma_start3A_190] : memref<40x128xi32, #tpu.memory_space<vmem>> -> memref<1x128xi32, #tpu.memory_space<vmem>>
      %dma_start3A_192 = tpu.memref_squeeze %dma_start3A_191 : memref<1x128xi32, #tpu.memory_space<vmem>> -> memref<128xi32, #tpu.memory_space<vmem>>
      %dma_start3A_193 = arith.constant 0 : i32
      %dma_start3A_194 = arith.constant 0 : i32
      %dma_start3A_195 = tpu.memref_slice %arg2[%dma_start3A_193, %dma_start3A_194] : memref<10240x128xf32, #tpu.memory_space<hbm>> -> memref<10240x128xf32, #tpu.memory_space<hbm>>
      tpu.enqueue_indirect_dma source(%dma_start3A_195 : memref<10240x128xf32, #tpu.memory_space<hbm>>) target(%arg10 : memref<128x128xf32, #tpu.memory_space<vmem>>) offsets(%dma_start3A_192 : memref<128xi32, #tpu.memory_space<vmem>>) semaphore(%arg13 : memref<!tpu.dma_semaphore, #tpu.memory_space<semaphore_mem>>)
      %dma_start3A_196 = arith.constant 0 : i32
      %dma_start3A_197 = tpu.memref_slice %arg8[%mul3A_179, %dma_start3A_196] : memref<40x128xi32, #tpu.memory_space<vmem>> -> memref<1x128xi32, #tpu.memory_space<vmem>>
      %dma_start3A_198 = tpu.memref_squeeze %dma_start3A_197 : memref<1x128xi32, #tpu.memory_space<vmem>> -> memref<128xi32, #tpu.memory_space<vmem>>
      %dma_start3A_199 = arith.constant 0 : i32
      %dma_start3A_200 = arith.constant 0 : i32
      %dma_start3A_201 = tpu.memref_slice %arg6[%dma_start3A_199, %dma_start3A_200] : memref<10240x128xf32, #tpu.memory_space<vmem_shared>> -> memref<10240x128xf32, #tpu.memory_space<vmem_shared>>
      tpu.enqueue_indirect_dma source(%arg9 : memref<128x128xf32, #tpu.memory_space<vmem>>) target(%dma_start3A_201 : memref<10240x128xf32, #tpu.memory_space<vmem_shared>>) offsets(%dma_start3A_198 : memref<128xi32, #tpu.memory_space<vmem>>) semaphore(%arg14 : memref<!tpu.dma_semaphore, #tpu.memory_space<semaphore_mem>>) {add = true}
      %add3A_202 = arith.constant 1 : i32
      %add3A_203 = arith.addi %mul3A_179, %add3A_202 : i32
      %dma_wait3A_204 = arith.constant 0 : i32
      %dma_wait3A_205 = tpu.memref_slice %arg7[%add3A_203, %dma_wait3A_204] : memref<40x128xi32, #tpu.memory_space<vmem>> -> memref<1x128xi32, #tpu.memory_space<vmem>>
      %dma_wait3A_206 = tpu.memref_squeeze %dma_wait3A_205 : memref<1x128xi32, #tpu.memory_space<vmem>> -> memref<128xi32, #tpu.memory_space<vmem>>
      %dma_wait3A_207 = arith.constant 0 : i32
      %dma_wait3A_208 = arith.constant 0 : i32
      %dma_wait3A_209 = tpu.memref_slice %arg2[%dma_wait3A_207, %dma_wait3A_208] : memref<10240x128xf32, #tpu.memory_space<hbm>> -> memref<10240x128xf32, #tpu.memory_space<hbm>>
      tpu.wait_indirect_dma semaphore(%arg13 : memref<!tpu.dma_semaphore, #tpu.memory_space<semaphore_mem>>) src(%dma_wait3A_209 : memref<10240x128xf32, #tpu.memory_space<hbm>>) dst(%arg10 : memref<128x128xf32, #tpu.memory_space<vmem>>)
      %dma_wait3A_210 = arith.constant 0 : i32
      %dma_wait3A_211 = tpu.memref_slice %arg8[%mul3A_179, %dma_wait3A_210] : memref<40x128xi32, #tpu.memory_space<vmem>> -> memref<1x128xi32, #tpu.memory_space<vmem>>
      %dma_wait3A_212 = tpu.memref_squeeze %dma_wait3A_211 : memref<1x128xi32, #tpu.memory_space<vmem>> -> memref<128xi32, #tpu.memory_space<vmem>>
      %dma_wait3A_213 = arith.constant 0 : i32
      %dma_wait3A_214 = arith.constant 0 : i32
      %dma_wait3A_215 = tpu.memref_slice %arg6[%dma_wait3A_213, %dma_wait3A_214] : memref<10240x128xf32, #tpu.memory_space<vmem_shared>> -> memref<10240x128xf32, #tpu.memory_space<vmem_shared>>
      tpu.wait_indirect_dma semaphore(%arg14 : memref<!tpu.dma_semaphore, #tpu.memory_space<semaphore_mem>>) src(%arg9 : memref<128x128xf32, #tpu.memory_space<vmem>>) dst(%dma_wait3A_215 : memref<10240x128xf32, #tpu.memory_space<vmem_shared>>)
      %lt3A = arith.constant 19 : i32
      %lt3A_216 = arith.cmpi slt, %scan3A_176, %lt3A : i32
      %convert_element_type3A_217 = arith.extui %lt3A_216 : i1 to i32
      %cond3A_218 = arith.constant 0 : i32
      %cond3A_219 = arith.cmpi ne, %convert_element_type3A_217, %cond3A_218 : i32
      scf.if %cond3A_219 {
        %add3A_229 = arith.constant 2 : i32
        %add3A_230 = arith.addi %mul3A_179, %add3A_229 : i32
        %dma_start3A_231 = arith.constant 0 : i32
        %dma_start3A_232 = tpu.memref_slice %arg7[%add3A_230, %dma_start3A_231] : memref<40x128xi32, #tpu.memory_space<vmem>> -> memref<1x128xi32, #tpu.memory_space<vmem>>
        %dma_start3A_233 = tpu.memref_squeeze %dma_start3A_232 : memref<1x128xi32, #tpu.memory_space<vmem>> -> memref<128xi32, #tpu.memory_space<vmem>>
        %dma_start3A_234 = arith.constant 0 : i32
        %dma_start3A_235 = arith.constant 0 : i32
        %dma_start3A_236 = tpu.memref_slice %arg2[%dma_start3A_234, %dma_start3A_235] : memref<10240x128xf32, #tpu.memory_space<hbm>> -> memref<10240x128xf32, #tpu.memory_space<hbm>>
        tpu.enqueue_indirect_dma source(%dma_start3A_236 : memref<10240x128xf32, #tpu.memory_space<hbm>>) target(%arg9 : memref<128x128xf32, #tpu.memory_space<vmem>>) offsets(%dma_start3A_233 : memref<128xi32, #tpu.memory_space<vmem>>) semaphore(%arg12 : memref<!tpu.dma_semaphore, #tpu.memory_space<semaphore_mem>>)
      } else {
      }
      %add3A_220 = arith.constant 1 : i32
      %add3A_221 = arith.addi %mul3A_179, %add3A_220 : i32
      %dma_start3A_222 = arith.constant 0 : i32
      %dma_start3A_223 = tpu.memref_slice %arg8[%add3A_221, %dma_start3A_222] : memref<40x128xi32, #tpu.memory_space<vmem>> -> memref<1x128xi32, #tpu.memory_space<vmem>>
      %dma_start3A_224 = tpu.memref_squeeze %dma_start3A_223 : memref<1x128xi32, #tpu.memory_space<vmem>> -> memref<128xi32, #tpu.memory_space<vmem>>
      %dma_start3A_225 = arith.constant 0 : i32
      %dma_start3A_226 = arith.constant 0 : i32
      %dma_start3A_227 = tpu.memref_slice %arg6[%dma_start3A_225, %dma_start3A_226] : memref<10240x128xf32, #tpu.memory_space<vmem_shared>> -> memref<10240x128xf32, #tpu.memory_space<vmem_shared>>
      tpu.enqueue_indirect_dma source(%arg10 : memref<128x128xf32, #tpu.memory_space<vmem>>) target(%dma_start3A_227 : memref<10240x128xf32, #tpu.memory_space<vmem_shared>>) offsets(%dma_start3A_224 : memref<128xi32, #tpu.memory_space<vmem>>) semaphore(%arg15 : memref<!tpu.dma_semaphore, #tpu.memory_space<semaphore_mem>>) {add = true}
      %scan3A_228 = arith.constant 0 : i32
      scf.yield %scan3A_228 : i32
    }
    %scan3A_122 = arith.constant 20 : i32
    %dma_wait3A_123 = arith.constant 39 : i32
    %dma_wait3A_124 = arith.constant 0 : i32
    %dma_wait3A_125 = tpu.memref_slice %arg8[%dma_wait3A_123, %dma_wait3A_124] : memref<40x128xi32, #tpu.memory_space<vmem>> -> memref<1x128xi32, #tpu.memory_space<vmem>>
    %dma_wait3A_126 = tpu.memref_squeeze %dma_wait3A_125 : memref<1x128xi32, #tpu.memory_space<vmem>> -> memref<128xi32, #tpu.memory_space<vmem>>
    %dma_wait3A_127 = arith.constant 0 : i32
    %dma_wait3A_128 = arith.constant 0 : i32
    %dma_wait3A_129 = tpu.memref_slice %arg6[%dma_wait3A_127, %dma_wait3A_128] : memref<10240x128xf32, #tpu.memory_space<vmem_shared>> -> memref<10240x128xf32, #tpu.memory_space<vmem_shared>>
    tpu.wait_indirect_dma semaphore(%arg15 : memref<!tpu.dma_semaphore, #tpu.memory_space<semaphore_mem>>) src(%arg10 : memref<128x128xf32, #tpu.memory_space<vmem>>) dst(%dma_wait3A_129 : memref<10240x128xf32, #tpu.memory_space<vmem_shared>>)
    %mul3A_130 = arith.constant 80 : i32
    %mul3A_131 = arith.muli %add3A, %mul3A_130 : i32
    %add3A_132 = arith.constant 40 : i32
    %add3A_133 = arith.addi %mul3A_131, %add3A_132 : i32
    %dma_start3A_134 = arith.constant 0 : i32
    %dma_start3A_135 = tpu.memref_slice %arg3[%add3A_133, %dma_start3A_134] : memref<2560x128xi32, #tpu.memory_space<hbm>> -> memref<40x128xi32, #tpu.memory_space<hbm>>
    %dma_start3A_136 = arith.constant 0 : i32
    %dma_start3A_137 = tpu.memref_slice %arg3[%add3A_133, %dma_start3A_136] : memref<2560x128xi32, #tpu.memory_space<hbm>> -> memref<40x128xi32, #tpu.memory_space<hbm>>
    tpu.enqueue_dma source(%dma_start3A_137 : memref<40x128xi32, #tpu.memory_space<hbm>>) target(%arg7 : memref<40x128xi32, #tpu.memory_space<vmem>>) target_semaphore(%arg11 : memref<!tpu.dma_semaphore, #tpu.memory_space<semaphore_mem>>)
    %dma_start3A_138 = arith.constant 0 : i32
    %dma_start3A_139 = tpu.memref_slice %arg4[%add3A_133, %dma_start3A_138] : memref<2560x128xi32, #tpu.memory_space<hbm>> -> memref<40x128xi32, #tpu.memory_space<hbm>>
    %dma_start3A_140 = arith.constant 0 : i32
    %dma_start3A_141 = tpu.memref_slice %arg4[%add3A_133, %dma_start3A_140] : memref<2560x128xi32, #tpu.memory_space<hbm>> -> memref<40x128xi32, #tpu.memory_space<hbm>>
    tpu.enqueue_dma source(%dma_start3A_141 : memref<40x128xi32, #tpu.memory_space<hbm>>) target(%arg8 : memref<40x128xi32, #tpu.memory_space<vmem>>) target_semaphore(%arg11 : memref<!tpu.dma_semaphore, #tpu.memory_space<semaphore_mem>>)
    %dma_wait3A_142 = arith.constant 0 : i32
    %dma_wait3A_143 = tpu.memref_slice %arg3[%add3A_133, %dma_wait3A_142] : memref<2560x128xi32, #tpu.memory_space<hbm>> -> memref<40x128xi32, #tpu.memory_space<hbm>>
    %dma_wait3A_144 = arith.constant 0 : i32
    %dma_wait3A_145 = tpu.memref_slice %arg3[%add3A_133, %dma_wait3A_144] : memref<2560x128xi32, #tpu.memory_space<hbm>> -> memref<40x128xi32, #tpu.memory_space<hbm>>
    tpu.wait_dma2 semaphore(%arg11 : memref<!tpu.dma_semaphore, #tpu.memory_space<semaphore_mem>>) src(%dma_wait3A_145 : memref<40x128xi32, #tpu.memory_space<hbm>>) dst(%arg7 : memref<40x128xi32, #tpu.memory_space<vmem>>)
    %dma_wait3A_146 = arith.constant 0 : i32
    %dma_wait3A_147 = tpu.memref_slice %arg4[%add3A_133, %dma_wait3A_146] : memref<2560x128xi32, #tpu.memory_space<hbm>> -> memref<40x128xi32, #tpu.memory_space<hbm>>
    %dma_wait3A_148 = arith.constant 0 : i32
    %dma_wait3A_149 = tpu.memref_slice %arg4[%add3A_133, %dma_wait3A_148] : memref<2560x128xi32, #tpu.memory_space<hbm>> -> memref<40x128xi32, #tpu.memory_space<hbm>>
    tpu.wait_dma2 semaphore(%arg11 : memref<!tpu.dma_semaphore, #tpu.memory_space<semaphore_mem>>) src(%dma_wait3A_149 : memref<40x128xi32, #tpu.memory_space<hbm>>) dst(%arg8 : memref<40x128xi32, #tpu.memory_space<vmem>>)
    %dma_start3A_150 = arith.constant 0 : i32
    %dma_start3A_151 = arith.constant 0 : i32
    %dma_start3A_152 = tpu.memref_slice %arg7[%dma_start3A_150, %dma_start3A_151] : memref<40x128xi32, #tpu.memory_space<vmem>> -> memref<1x128xi32, #tpu.memory_space<vmem>>
    %dma_start3A_153 = tpu.memref_squeeze %dma_start3A_152 : memref<1x128xi32, #tpu.memory_space<vmem>> -> memref<128xi32, #tpu.memory_space<vmem>>
    %dma_start3A_154 = arith.constant 0 : i32
    %dma_start3A_155 = arith.constant 0 : i32
    %dma_start3A_156 = tpu.memref_slice %arg2[%dma_start3A_154, %dma_start3A_155] : memref<10240x128xf32, #tpu.memory_space<hbm>> -> memref<10240x128xf32, #tpu.memory_space<hbm>>
    tpu.enqueue_indirect_dma source(%dma_start3A_156 : memref<10240x128xf32, #tpu.memory_space<hbm>>) target(%arg9 : memref<128x128xf32, #tpu.memory_space<vmem>>) offsets(%dma_start3A_153 : memref<128xi32, #tpu.memory_space<vmem>>) semaphore(%arg12 : memref<!tpu.dma_semaphore, #tpu.memory_space<semaphore_mem>>)
    %scan3A_157 = arith.constant 0 : i32
    %scan3A_158 = arith.constant 0 : i32
    %scan3A_159 = arith.constant 20 : i32
    %scan3A_160 = arith.addi %scan3A_158, %scan3A_159 : i32
    %scan3A_161 = arith.constant 1 : i32
    %scan3A_162 = scf.for %scan3A_176 = %scan3A_158 to %scan3A_160 step %scan3A_161 iter_args(%scan3A_177 = %scan3A_157) -> (i32)  : i32 {
      %mul3A_178 = arith.constant 2 : i32
      %mul3A_179 = arith.muli %mul3A_178, %scan3A_176 : i32
      %dma_wait3A_180 = arith.constant 0 : i32
      %dma_wait3A_181 = tpu.memref_slice %arg7[%mul3A_179, %dma_wait3A_180] : memref<40x128xi32, #tpu.memory_space<vmem>> -> memref<1x128xi32, #tpu.memory_space<vmem>>
      %dma_wait3A_182 = tpu.memref_squeeze %dma_wait3A_181 : memref<1x128xi32, #tpu.memory_space<vmem>> -> memref<128xi32, #tpu.memory_space<vmem>>
      %dma_wait3A_183 = arith.constant 0 : i32
      %dma_wait3A_184 = arith.constant 0 : i32
      %dma_wait3A_185 = tpu.memref_slice %arg2[%dma_wait3A_183, %dma_wait3A_184] : memref<10240x128xf32, #tpu.memory_space<hbm>> -> memref<10240x128xf32, #tpu.memory_space<hbm>>
      tpu.wait_indirect_dma semaphore(%arg12 : memref<!tpu.dma_semaphore, #tpu.memory_space<semaphore_mem>>) src(%dma_wait3A_185 : memref<10240x128xf32, #tpu.memory_space<hbm>>) dst(%arg9 : memref<128x128xf32, #tpu.memory_space<vmem>>)
      %gt3A = arith.constant 0 : i32
      %gt3A_186 = arith.cmpi sgt, %scan3A_176, %gt3A : i32
      %convert_element_type3A = arith.extui %gt3A_186 : i1 to i32
      %cond3A = arith.constant 0 : i32
      %cond3A_187 = arith.cmpi ne, %convert_element_type3A, %cond3A : i32
      scf.if %cond3A_187 {
        %sub3A = arith.constant 1 : i32
        %sub3A_229 = arith.subi %mul3A_179, %sub3A : i32
        %dma_wait3A_230 = arith.constant 0 : i32
        %dma_wait3A_231 = tpu.memref_slice %arg8[%sub3A_229, %dma_wait3A_230] : memref<40x128xi32, #tpu.memory_space<vmem>> -> memref<1x128xi32, #tpu.memory_space<vmem>>
        %dma_wait3A_232 = tpu.memref_squeeze %dma_wait3A_231 : memref<1x128xi32, #tpu.memory_space<vmem>> -> memref<128xi32, #tpu.memory_space<vmem>>
        %dma_wait3A_233 = arith.constant 0 : i32
        %dma_wait3A_234 = arith.constant 0 : i32
        %dma_wait3A_235 = tpu.memref_slice %arg6[%dma_wait3A_233, %dma_wait3A_234] : memref<10240x128xf32, #tpu.memory_space<vmem_shared>> -> memref<10240x128xf32, #tpu.memory_space<vmem_shared>>
        tpu.wait_indirect_dma semaphore(%arg15 : memref<!tpu.dma_semaphore, #tpu.memory_space<semaphore_mem>>) src(%arg10 : memref<128x128xf32, #tpu.memory_space<vmem>>) dst(%dma_wait3A_235 : memref<10240x128xf32, #tpu.memory_space<vmem_shared>>)
      } else {
      }
      %add3A_188 = arith.constant 1 : i32
      %add3A_189 = arith.addi %mul3A_179, %add3A_188 : i32
      %dma_start3A_190 = arith.constant 0 : i32
      %dma_start3A_191 = tpu.memref_slice %arg7[%add3A_189, %dma_start3A_190] : memref<40x128xi32, #tpu.memory_space<vmem>> -> memref<1x128xi32, #tpu.memory_space<vmem>>
      %dma_start3A_192 = tpu.memref_squeeze %dma_start3A_191 : memref<1x128xi32, #tpu.memory_space<vmem>> -> memref<128xi32, #tpu.memory_space<vmem>>
      %dma_start3A_193 = arith.constant 0 : i32
      %dma_start3A_194 = arith.constant 0 : i32
      %dma_start3A_195 = tpu.memref_slice %arg2[%dma_start3A_193, %dma_start3A_194] : memref<10240x128xf32, #tpu.memory_space<hbm>> -> memref<10240x128xf32, #tpu.memory_space<hbm>>
      tpu.enqueue_indirect_dma source(%dma_start3A_195 : memref<10240x128xf32, #tpu.memory_space<hbm>>) target(%arg10 : memref<128x128xf32, #tpu.memory_space<vmem>>) offsets(%dma_start3A_192 : memref<128xi32, #tpu.memory_space<vmem>>) semaphore(%arg13 : memref<!tpu.dma_semaphore, #tpu.memory_space<semaphore_mem>>)
      %dma_start3A_196 = arith.constant 0 : i32
      %dma_start3A_197 = tpu.memref_slice %arg8[%mul3A_179, %dma_start3A_196] : memref<40x128xi32, #tpu.memory_space<vmem>> -> memref<1x128xi32, #tpu.memory_space<vmem>>
      %dma_start3A_198 = tpu.memref_squeeze %dma_start3A_197 : memref<1x128xi32, #tpu.memory_space<vmem>> -> memref<128xi32, #tpu.memory_space<vmem>>
      %dma_start3A_199 = arith.constant 0 : i32
      %dma_start3A_200 = arith.constant 0 : i32
      %dma_start3A_201 = tpu.memref_slice %arg6[%dma_start3A_199, %dma_start3A_200] : memref<10240x128xf32, #tpu.memory_space<vmem_shared>> -> memref<10240x128xf32, #tpu.memory_space<vmem_shared>>
      tpu.enqueue_indirect_dma source(%arg9 : memref<128x128xf32, #tpu.memory_space<vmem>>) target(%dma_start3A_201 : memref<10240x128xf32, #tpu.memory_space<vmem_shared>>) offsets(%dma_start3A_198 : memref<128xi32, #tpu.memory_space<vmem>>) semaphore(%arg14 : memref<!tpu.dma_semaphore, #tpu.memory_space<semaphore_mem>>) {add = true}
      %add3A_202 = arith.constant 1 : i32
      %add3A_203 = arith.addi %mul3A_179, %add3A_202 : i32
      %dma_wait3A_204 = arith.constant 0 : i32
      %dma_wait3A_205 = tpu.memref_slice %arg7[%add3A_203, %dma_wait3A_204] : memref<40x128xi32, #tpu.memory_space<vmem>> -> memref<1x128xi32, #tpu.memory_space<vmem>>
      %dma_wait3A_206 = tpu.memref_squeeze %dma_wait3A_205 : memref<1x128xi32, #tpu.memory_space<vmem>> -> memref<128xi32, #tpu.memory_space<vmem>>
      %dma_wait3A_207 = arith.constant 0 : i32
      %dma_wait3A_208 = arith.constant 0 : i32
      %dma_wait3A_209 = tpu.memref_slice %arg2[%dma_wait3A_207, %dma_wait3A_208] : memref<10240x128xf32, #tpu.memory_space<hbm>> -> memref<10240x128xf32, #tpu.memory_space<hbm>>
      tpu.wait_indirect_dma semaphore(%arg13 : memref<!tpu.dma_semaphore, #tpu.memory_space<semaphore_mem>>) src(%dma_wait3A_209 : memref<10240x128xf32, #tpu.memory_space<hbm>>) dst(%arg10 : memref<128x128xf32, #tpu.memory_space<vmem>>)
      %dma_wait3A_210 = arith.constant 0 : i32
      %dma_wait3A_211 = tpu.memref_slice %arg8[%mul3A_179, %dma_wait3A_210] : memref<40x128xi32, #tpu.memory_space<vmem>> -> memref<1x128xi32, #tpu.memory_space<vmem>>
      %dma_wait3A_212 = tpu.memref_squeeze %dma_wait3A_211 : memref<1x128xi32, #tpu.memory_space<vmem>> -> memref<128xi32, #tpu.memory_space<vmem>>
      %dma_wait3A_213 = arith.constant 0 : i32
      %dma_wait3A_214 = arith.constant 0 : i32
      %dma_wait3A_215 = tpu.memref_slice %arg6[%dma_wait3A_213, %dma_wait3A_214] : memref<10240x128xf32, #tpu.memory_space<vmem_shared>> -> memref<10240x128xf32, #tpu.memory_space<vmem_shared>>
      tpu.wait_indirect_dma semaphore(%arg14 : memref<!tpu.dma_semaphore, #tpu.memory_space<semaphore_mem>>) src(%arg9 : memref<128x128xf32, #tpu.memory_space<vmem>>) dst(%dma_wait3A_215 : memref<10240x128xf32, #tpu.memory_space<vmem_shared>>)
      %lt3A = arith.constant 19 : i32
      %lt3A_216 = arith.cmpi slt, %scan3A_176, %lt3A : i32
      %convert_element_type3A_217 = arith.extui %lt3A_216 : i1 to i32
      %cond3A_218 = arith.constant 0 : i32
      %cond3A_219 = arith.cmpi ne, %convert_element_type3A_217, %cond3A_218 : i32
      scf.if %cond3A_219 {
        %add3A_229 = arith.constant 2 : i32
        %add3A_230 = arith.addi %mul3A_179, %add3A_229 : i32
        %dma_start3A_231 = arith.constant 0 : i32
        %dma_start3A_232 = tpu.memref_slice %arg7[%add3A_230, %dma_start3A_231] : memref<40x128xi32, #tpu.memory_space<vmem>> -> memref<1x128xi32, #tpu.memory_space<vmem>>
        %dma_start3A_233 = tpu.memref_squeeze %dma_start3A_232 : memref<1x128xi32, #tpu.memory_space<vmem>> -> memref<128xi32, #tpu.memory_space<vmem>>
        %dma_start3A_234 = arith.constant 0 : i32
        %dma_start3A_235 = arith.constant 0 : i32
        %dma_start3A_236 = tpu.memref_slice %arg2[%dma_start3A_234, %dma_start3A_235] : memref<10240x128xf32, #tpu.memory_space<hbm>> -> memref<10240x128xf32, #tpu.memory_space<hbm>>
        tpu.enqueue_indirect_dma source(%dma_start3A_236 : memref<10240x128xf32, #tpu.memory_space<hbm>>) target(%arg9 : memref<128x128xf32, #tpu.memory_space<vmem>>) offsets(%dma_start3A_233 : memref<128xi32, #tpu.memory_space<vmem>>) semaphore(%arg12 : memref<!tpu.dma_semaphore, #tpu.memory_space<semaphore_mem>>)
      } else {
      }
      %add3A_220 = arith.constant 1 : i32
      %add3A_221 = arith.addi %mul3A_179, %add3A_220 : i32
      %dma_start3A_222 = arith.constant 0 : i32
      %dma_start3A_223 = tpu.memref_slice %arg8[%add3A_221, %dma_start3A_222] : memref<40x128xi32, #tpu.memory_space<vmem>> -> memref<1x128xi32, #tpu.memory_space<vmem>>
      %dma_start3A_224 = tpu.memref_squeeze %dma_start3A_223 : memref<1x128xi32, #tpu.memory_space<vmem>> -> memref<128xi32, #tpu.memory_space<vmem>>
      %dma_start3A_225 = arith.constant 0 : i32
      %dma_start3A_226 = arith.constant 0 : i32
      %dma_start3A_227 = tpu.memref_slice %arg6[%dma_start3A_225, %dma_start3A_226] : memref<10240x128xf32, #tpu.memory_space<vmem_shared>> -> memref<10240x128xf32, #tpu.memory_space<vmem_shared>>
      tpu.enqueue_indirect_dma source(%arg10 : memref<128x128xf32, #tpu.memory_space<vmem>>) target(%dma_start3A_227 : memref<10240x128xf32, #tpu.memory_space<vmem_shared>>) offsets(%dma_start3A_224 : memref<128xi32, #tpu.memory_space<vmem>>) semaphore(%arg15 : memref<!tpu.dma_semaphore, #tpu.memory_space<semaphore_mem>>) {add = true}
      %scan3A_228 = arith.constant 0 : i32
      scf.yield %scan3A_228 : i32
    }
    %scan3A_163 = arith.constant 20 : i32
    %dma_wait3A_164 = arith.constant 39 : i32
    %dma_wait3A_165 = arith.constant 0 : i32
    %dma_wait3A_166 = tpu.memref_slice %arg8[%dma_wait3A_164, %dma_wait3A_165] : memref<40x128xi32, #tpu.memory_space<vmem>> -> memref<1x128xi32, #tpu.memory_space<vmem>>
    %dma_wait3A_167 = tpu.memref_squeeze %dma_wait3A_166 : memref<1x128xi32, #tpu.memory_space<vmem>> -> memref<128xi32, #tpu.memory_space<vmem>>
    %dma_wait3A_168 = arith.constant 0 : i32
    %dma_wait3A_169 = arith.constant 0 : i32
    %dma_wait3A_170 = tpu.memref_slice %arg6[%dma_wait3A_168, %dma_wait3A_169] : memref<10240x128xf32, #tpu.memory_space<vmem_shared>> -> memref<10240x128xf32, #tpu.memory_space<vmem_shared>>
    tpu.wait_indirect_dma semaphore(%arg15 : memref<!tpu.dma_semaphore, #tpu.memory_space<semaphore_mem>>) src(%arg10 : memref<128x128xf32, #tpu.memory_space<vmem>>) dst(%dma_wait3A_170 : memref<10240x128xf32, #tpu.memory_space<vmem_shared>>)
    %barrier3A_171 = arith.constant 0 : index
    tpu.barrier barrier_id(%barrier3A_171)
    %mul3A_172 = arith.constant 640 : i32
    %mul3A_173 = arith.muli %arg1, %mul3A_172 : i32
    %mul3A_174 = arith.constant 640 : i32
    %mul3A_175 = arith.muli %arg1, %mul3A_174 : i32
    "tpu.region"() ({
      %run_scoped3A = tpu.sem_alloc : memref<!tpu.dma_semaphore, #tpu.memory_space<semaphore_mem>>
      %dma_start3A_176 = arith.constant 0 : i32
      %dma_start3A_177 = tpu.memref_slice %arg5[%arg0, %mul3A_175, %dma_start3A_176] : memref<2x10240x128xf32, #tpu.memory_space<hbm>> -> memref<1x640x128xf32, #tpu.memory_space<hbm>>
      %dma_start3A_178 = tpu.memref_squeeze %dma_start3A_177 : memref<1x640x128xf32, #tpu.memory_space<hbm>> -> memref<640x128xf32, #tpu.memory_space<hbm>>
      %dma_start3A_179 = arith.constant 0 : i32
      %dma_start3A_180 = tpu.memref_slice %arg6[%mul3A_173, %dma_start3A_179] : memref<10240x128xf32, #tpu.memory_space<vmem_shared>> -> memref<640x128xf32, #tpu.memory_space<vmem_shared>>
      tpu.enqueue_dma source(%dma_start3A_180 : memref<640x128xf32, #tpu.memory_space<vmem_shared>>) target(%dma_start3A_178 : memref<640x128xf32, #tpu.memory_space<hbm>>) target_semaphore(%run_scoped3A : memref<!tpu.dma_semaphore, #tpu.memory_space<semaphore_mem>>)
      %dma_wait3A_181 = arith.constant 0 : i32
      %dma_wait3A_182 = tpu.memref_slice %arg5[%arg0, %mul3A_175, %dma_wait3A_181] : memref<2x10240x128xf32, #tpu.memory_space<hbm>> -> memref<1x640x128xf32, #tpu.memory_space<hbm>>
      %dma_wait3A_183 = tpu.memref_squeeze %dma_wait3A_182 : memref<1x640x128xf32, #tpu.memory_space<hbm>> -> memref<640x128xf32, #tpu.memory_space<hbm>>
      %dma_wait3A_184 = arith.constant 0 : i32
      %dma_wait3A_185 = tpu.memref_slice %arg6[%mul3A_173, %dma_wait3A_184] : memref<10240x128xf32, #tpu.memory_space<vmem_shared>> -> memref<640x128xf32, #tpu.memory_space<vmem_shared>>
      tpu.wait_dma2 semaphore(%run_scoped3A : memref<!tpu.dma_semaphore, #tpu.memory_space<semaphore_mem>>) src(%dma_wait3A_185 : memref<640x128xf32, #tpu.memory_space<vmem_shared>>) dst(%dma_wait3A_183 : memref<640x128xf32, #tpu.memory_space<hbm>>)
      tpu.yield
    }) : () -> ()
    return
  }
}

#map = affine_map<(d0, d1) -> (0, 0)>
#map1 = affine_map<(d0, d1) -> (0, 0, 0)>
module attributes {stable_mosaic.version = 14 : i64} {
  func.func @scat_k(%arg0: i32, %arg1: i32, %arg2: memref<10240x64xf32, #tpu.memory_space<hbm>>, %arg3: memref<2560x128xi32, #tpu.memory_space<hbm>>, %arg4: memref<2560x128xi32, #tpu.memory_space<hbm>>, %arg5: memref<2x10240x64xf32, #tpu.memory_space<hbm>>, %arg6: memref<10240x64xf32, #tpu.memory_space<vmem_shared>>, %arg7: memref<80x128xi32, #tpu.memory_space<vmem>>, %arg8: memref<80x128xi32, #tpu.memory_space<vmem>>, %arg9: memref<128x64xf32, #tpu.memory_space<vmem>>, %arg10: memref<128x64xf32, #tpu.memory_space<vmem>>, %arg11: memref<!tpu.dma_semaphore, #tpu.memory_space<semaphore_mem>>, %arg12: memref<!tpu.dma_semaphore, #tpu.memory_space<semaphore_mem>>, %arg13: memref<!tpu.dma_semaphore, #tpu.memory_space<semaphore_mem>>, %arg14: memref<!tpu.dma_semaphore, #tpu.memory_space<semaphore_mem>>, %arg15: memref<!tpu.dma_semaphore, #tpu.memory_space<semaphore_mem>>) attributes {dimension_semantics = [#tpu.dimension_semantics<core_parallel>, #tpu.dimension_semantics<subcore_parallel>], iteration_bounds = array<i64: 2, 16>, scalar_prefetch = 0 : i64, scratch_operands = 10 : i64, tpu.core_type = #tpu.core_type<sc_vector_subcore>, window_params = [{transform_indices = #map}, {transform_indices = #map}, {transform_indices = #map}, {transform_indices = #map1}]} {
    %mul3A = arith.constant 16 : i32
    %mul3A_0 = arith.muli %arg0, %mul3A : i32
    %add3A = arith.addi %mul3A_0, %arg1 : i32
    %mul3A_1 = arith.constant 80 : i32
    %mul3A_2 = arith.muli %add3A, %mul3A_1 : i32
    %dma_start3A = arith.constant 0 : i32
    %dma_start3A_3 = tpu.memref_slice %arg3[%mul3A_2, %dma_start3A] : memref<2560x128xi32, #tpu.memory_space<hbm>> -> memref<80x128xi32, #tpu.memory_space<hbm>>
    %dma_start3A_4 = arith.constant 0 : i32
    %dma_start3A_5 = tpu.memref_slice %arg3[%mul3A_2, %dma_start3A_4] : memref<2560x128xi32, #tpu.memory_space<hbm>> -> memref<80x128xi32, #tpu.memory_space<hbm>>
    tpu.enqueue_dma source(%dma_start3A_5 : memref<80x128xi32, #tpu.memory_space<hbm>>) target(%arg7 : memref<80x128xi32, #tpu.memory_space<vmem>>) target_semaphore(%arg11 : memref<!tpu.dma_semaphore, #tpu.memory_space<semaphore_mem>>)
    %mul3A_6 = arith.constant 80 : i32
    %mul3A_7 = arith.muli %add3A, %mul3A_6 : i32
    %dma_start3A_8 = arith.constant 0 : i32
    %dma_start3A_9 = tpu.memref_slice %arg4[%mul3A_7, %dma_start3A_8] : memref<2560x128xi32, #tpu.memory_space<hbm>> -> memref<80x128xi32, #tpu.memory_space<hbm>>
    %dma_start3A_10 = arith.constant 0 : i32
    %dma_start3A_11 = tpu.memref_slice %arg4[%mul3A_7, %dma_start3A_10] : memref<2560x128xi32, #tpu.memory_space<hbm>> -> memref<80x128xi32, #tpu.memory_space<hbm>>
    tpu.enqueue_dma source(%dma_start3A_11 : memref<80x128xi32, #tpu.memory_space<hbm>>) target(%arg8 : memref<80x128xi32, #tpu.memory_space<vmem>>) target_semaphore(%arg11 : memref<!tpu.dma_semaphore, #tpu.memory_space<semaphore_mem>>)
    %scan3A = arith.constant 0 : i32
    %scan3A_12 = arith.constant 0 : i32
    %scan3A_13 = arith.constant 512 : i32
    %scan3A_14 = arith.addi %scan3A_12, %scan3A_13 : i32
    %scan3A_15 = arith.constant 1 : i32
    %scan3A_16 = scf.for %scan3A_135 = %scan3A_12 to %scan3A_14 step %scan3A_15 iter_args(%scan3A_136 = %scan3A) -> (i32)  : i32 {
      %jit3A = arith.constant 4 : i32
      %div3A = arith.divsi %scan3A_135, %jit3A : i32
      %sign3A = arith.constant 0 : i32
      %sign3A_137 = arith.cmpi sgt, %scan3A_135, %sign3A : i32
      %sign3A_138 = arith.extui %sign3A_137 : i1 to i32
      %sign3A_139 = arith.constant 0 : i32
      %sign3A_140 = arith.cmpi slt, %scan3A_135, %sign3A_139 : i32
      %sign3A_141 = arith.extui %sign3A_140 : i1 to i32
      %sign3A_142 = arith.subi %sign3A_138, %sign3A_141 : i32
      %sign3A_143 = arith.constant 0 : i32
      %sign3A_144 = arith.cmpi sgt, %jit3A, %sign3A_143 : i32
      %sign3A_145 = arith.extui %sign3A_144 : i1 to i32
      %sign3A_146 = arith.constant 0 : i32
      %sign3A_147 = arith.cmpi slt, %jit3A, %sign3A_146 : i32
      %sign3A_148 = arith.extui %sign3A_147 : i1 to i32
      %sign3A_149 = arith.subi %sign3A_145, %sign3A_148 : i32
      %ne3A = arith.cmpi ne, %sign3A_142, %sign3A_149 : i32
      %rem3A = arith.remsi %scan3A_135, %jit3A : i32
      %ne3A_150 = arith.constant 0 : i32
      %ne3A_151 = arith.cmpi ne, %rem3A, %ne3A_150 : i32
      %and3A = arith.andi %ne3A, %ne3A_151 : i1
      %sub3A = arith.constant 1 : i32
      %sub3A_152 = arith.subi %div3A, %sub3A : i32
      %select_n3A = arith.select %and3A, %sub3A_152, %div3A : i32
      %rem3A_153 = arith.constant 4 : i32
      %rem3A_154 = arith.remsi %scan3A_135, %rem3A_153 : i32
      %broadcast_in_dim3A = arith.constant 0.000000e+00 : f32
      %broadcast_in_dim3A_155 = vector.broadcast %broadcast_in_dim3A : f32 to vector<16xf32>
      %mul3A_156 = arith.constant 16 : i32
      %mul3A_157 = arith.muli %rem3A_154, %mul3A_156 : i32
      %swap3A = arith.index_cast %select_n3A : i32 to index
      %swap3A_158 = arith.index_cast %mul3A_157 : i32 to index
      %swap3A_159 = tpu.vector_load %arg9[%swap3A, %swap3A_158] {strides = array<i32>} : memref<128x64xf32, #tpu.memory_space<vmem>>, vector<1x16xf32>,
      %swap3A_160 = vector.shape_cast %swap3A_159 : vector<1x16xf32> to vector<16xf32>
      %swap3A_161 = vector.shape_cast %broadcast_in_dim3A_155 : vector<16xf32> to vector<1x16xf32>
      tpu.vector_store %arg9[%swap3A, %swap3A_158], %swap3A_161 {strides = array<i32>} : memref<128x64xf32, #tpu.memory_space<vmem>>, vector<1x16xf32>,
      %scan3A_162 = arith.constant 0 : i32
      scf.yield %scan3A_162 : i32
    }
    %scan3A_17 = arith.constant 512 : i32
    %mul3A_18 = arith.constant 640 : i32
    %mul3A_19 = arith.muli %arg1, %mul3A_18 : i32
    %add3A_20 = arith.constant 0 : i32
    %add3A_21 = arith.addi %mul3A_19, %add3A_20 : i32
    %dma_start3A_22 = arith.constant 0 : i32
    %dma_start3A_23 = tpu.memref_slice %arg6[%add3A_21, %dma_start3A_22] : memref<10240x64xf32, #tpu.memory_space<vmem_shared>> -> memref<128x64xf32, #tpu.memory_space<vmem_shared>>
    %dma_start3A_24 = arith.constant 0 : i32
    %dma_start3A_25 = tpu.memref_slice %arg6[%add3A_21, %dma_start3A_24] : memref<10240x64xf32, #tpu.memory_space<vmem_shared>> -> memref<128x64xf32, #tpu.memory_space<vmem_shared>>
    tpu.enqueue_dma source(%arg9 : memref<128x64xf32, #tpu.memory_space<vmem>>) target(%dma_start3A_25 : memref<128x64xf32, #tpu.memory_space<vmem_shared>>) target_semaphore(%arg14 : memref<!tpu.dma_semaphore, #tpu.memory_space<semaphore_mem>>)
    %mul3A_26 = arith.constant 640 : i32
    %mul3A_27 = arith.muli %arg1, %mul3A_26 : i32
    %add3A_28 = arith.constant 128 : i32
    %add3A_29 = arith.addi %mul3A_27, %add3A_28 : i32
    %dma_start3A_30 = arith.constant 0 : i32
    %dma_start3A_31 = tpu.memref_slice %arg6[%add3A_29, %dma_start3A_30] : memref<10240x64xf32, #tpu.memory_space<vmem_shared>> -> memref<128x64xf32, #tpu.memory_space<vmem_shared>>
    %dma_start3A_32 = arith.constant 0 : i32
    %dma_start3A_33 = tpu.memref_slice %arg6[%add3A_29, %dma_start3A_32] : memref<10240x64xf32, #tpu.memory_space<vmem_shared>> -> memref<128x64xf32, #tpu.memory_space<vmem_shared>>
    tpu.enqueue_dma source(%arg9 : memref<128x64xf32, #tpu.memory_space<vmem>>) target(%dma_start3A_33 : memref<128x64xf32, #tpu.memory_space<vmem_shared>>) target_semaphore(%arg14 : memref<!tpu.dma_semaphore, #tpu.memory_space<semaphore_mem>>)
    %mul3A_34 = arith.constant 640 : i32
    %mul3A_35 = arith.muli %arg1, %mul3A_34 : i32
    %add3A_36 = arith.constant 256 : i32
    %add3A_37 = arith.addi %mul3A_35, %add3A_36 : i32
    %dma_start3A_38 = arith.constant 0 : i32
    %dma_start3A_39 = tpu.memref_slice %arg6[%add3A_37, %dma_start3A_38] : memref<10240x64xf32, #tpu.memory_space<vmem_shared>> -> memref<128x64xf32, #tpu.memory_space<vmem_shared>>
    %dma_start3A_40 = arith.constant 0 : i32
    %dma_start3A_41 = tpu.memref_slice %arg6[%add3A_37, %dma_start3A_40] : memref<10240x64xf32, #tpu.memory_space<vmem_shared>> -> memref<128x64xf32, #tpu.memory_space<vmem_shared>>
    tpu.enqueue_dma source(%arg9 : memref<128x64xf32, #tpu.memory_space<vmem>>) target(%dma_start3A_41 : memref<128x64xf32, #tpu.memory_space<vmem_shared>>) target_semaphore(%arg14 : memref<!tpu.dma_semaphore, #tpu.memory_space<semaphore_mem>>)
    %mul3A_42 = arith.constant 640 : i32
    %mul3A_43 = arith.muli %arg1, %mul3A_42 : i32
    %add3A_44 = arith.constant 384 : i32
    %add3A_45 = arith.addi %mul3A_43, %add3A_44 : i32
    %dma_start3A_46 = arith.constant 0 : i32
    %dma_start3A_47 = tpu.memref_slice %arg6[%add3A_45, %dma_start3A_46] : memref<10240x64xf32, #tpu.memory_space<vmem_shared>> -> memref<128x64xf32, #tpu.memory_space<vmem_shared>>
    %dma_start3A_48 = arith.constant 0 : i32
    %dma_start3A_49 = tpu.memref_slice %arg6[%add3A_45, %dma_start3A_48] : memref<10240x64xf32, #tpu.memory_space<vmem_shared>> -> memref<128x64xf32, #tpu.memory_space<vmem_shared>>
    tpu.enqueue_dma source(%arg9 : memref<128x64xf32, #tpu.memory_space<vmem>>) target(%dma_start3A_49 : memref<128x64xf32, #tpu.memory_space<vmem_shared>>) target_semaphore(%arg14 : memref<!tpu.dma_semaphore, #tpu.memory_space<semaphore_mem>>)
    %mul3A_50 = arith.constant 640 : i32
    %mul3A_51 = arith.muli %arg1, %mul3A_50 : i32
    %add3A_52 = arith.constant 512 : i32
    %add3A_53 = arith.addi %mul3A_51, %add3A_52 : i32
    %dma_start3A_54 = arith.constant 0 : i32
    %dma_start3A_55 = tpu.memref_slice %arg6[%add3A_53, %dma_start3A_54] : memref<10240x64xf32, #tpu.memory_space<vmem_shared>> -> memref<128x64xf32, #tpu.memory_space<vmem_shared>>
    %dma_start3A_56 = arith.constant 0 : i32
    %dma_start3A_57 = tpu.memref_slice %arg6[%add3A_53, %dma_start3A_56] : memref<10240x64xf32, #tpu.memory_space<vmem_shared>> -> memref<128x64xf32, #tpu.memory_space<vmem_shared>>
    tpu.enqueue_dma source(%arg9 : memref<128x64xf32, #tpu.memory_space<vmem>>) target(%dma_start3A_57 : memref<128x64xf32, #tpu.memory_space<vmem_shared>>) target_semaphore(%arg14 : memref<!tpu.dma_semaphore, #tpu.memory_space<semaphore_mem>>)
    %mul3A_58 = arith.constant 640 : i32
    %mul3A_59 = arith.muli %arg1, %mul3A_58 : i32
    %add3A_60 = arith.constant 0 : i32
    %add3A_61 = arith.addi %mul3A_59, %add3A_60 : i32
    %dma_wait3A = arith.constant 0 : i32
    %dma_wait3A_62 = tpu.memref_slice %arg6[%add3A_61, %dma_wait3A] : memref<10240x64xf32, #tpu.memory_space<vmem_shared>> -> memref<128x64xf32, #tpu.memory_space<vmem_shared>>
    %dma_wait3A_63 = arith.constant 0 : i32
    %dma_wait3A_64 = tpu.memref_slice %arg6[%add3A_61, %dma_wait3A_63] : memref<10240x64xf32, #tpu.memory_space<vmem_shared>> -> memref<128x64xf32, #tpu.memory_space<vmem_shared>>
    tpu.wait_dma2 semaphore(%arg14 : memref<!tpu.dma_semaphore, #tpu.memory_space<semaphore_mem>>) src(%arg9 : memref<128x64xf32, #tpu.memory_space<vmem>>) dst(%dma_wait3A_64 : memref<128x64xf32, #tpu.memory_space<vmem_shared>>)
    %mul3A_65 = arith.constant 640 : i32
    %mul3A_66 = arith.muli %arg1, %mul3A_65 : i32
    %add3A_67 = arith.constant 128 : i32
    %add3A_68 = arith.addi %mul3A_66, %add3A_67 : i32
    %dma_wait3A_69 = arith.constant 0 : i32
    %dma_wait3A_70 = tpu.memref_slice %arg6[%add3A_68, %dma_wait3A_69] : memref<10240x64xf32, #tpu.memory_space<vmem_shared>> -> memref<128x64xf32, #tpu.memory_space<vmem_shared>>
    %dma_wait3A_71 = arith.constant 0 : i32
    %dma_wait3A_72 = tpu.memref_slice %arg6[%add3A_68, %dma_wait3A_71] : memref<10240x64xf32, #tpu.memory_space<vmem_shared>> -> memref<128x64xf32, #tpu.memory_space<vmem_shared>>
    tpu.wait_dma2 semaphore(%arg14 : memref<!tpu.dma_semaphore, #tpu.memory_space<semaphore_mem>>) src(%arg9 : memref<128x64xf32, #tpu.memory_space<vmem>>) dst(%dma_wait3A_72 : memref<128x64xf32, #tpu.memory_space<vmem_shared>>)
    %mul3A_73 = arith.constant 640 : i32
    %mul3A_74 = arith.muli %arg1, %mul3A_73 : i32
    %add3A_75 = arith.constant 256 : i32
    %add3A_76 = arith.addi %mul3A_74, %add3A_75 : i32
    %dma_wait3A_77 = arith.constant 0 : i32
    %dma_wait3A_78 = tpu.memref_slice %arg6[%add3A_76, %dma_wait3A_77] : memref<10240x64xf32, #tpu.memory_space<vmem_shared>> -> memref<128x64xf32, #tpu.memory_space<vmem_shared>>
    %dma_wait3A_79 = arith.constant 0 : i32
    %dma_wait3A_80 = tpu.memref_slice %arg6[%add3A_76, %dma_wait3A_79] : memref<10240x64xf32, #tpu.memory_space<vmem_shared>> -> memref<128x64xf32, #tpu.memory_space<vmem_shared>>
    tpu.wait_dma2 semaphore(%arg14 : memref<!tpu.dma_semaphore, #tpu.memory_space<semaphore_mem>>) src(%arg9 : memref<128x64xf32, #tpu.memory_space<vmem>>) dst(%dma_wait3A_80 : memref<128x64xf32, #tpu.memory_space<vmem_shared>>)
    %mul3A_81 = arith.constant 640 : i32
    %mul3A_82 = arith.muli %arg1, %mul3A_81 : i32
    %add3A_83 = arith.constant 384 : i32
    %add3A_84 = arith.addi %mul3A_82, %add3A_83 : i32
    %dma_wait3A_85 = arith.constant 0 : i32
    %dma_wait3A_86 = tpu.memref_slice %arg6[%add3A_84, %dma_wait3A_85] : memref<10240x64xf32, #tpu.memory_space<vmem_shared>> -> memref<128x64xf32, #tpu.memory_space<vmem_shared>>
    %dma_wait3A_87 = arith.constant 0 : i32
    %dma_wait3A_88 = tpu.memref_slice %arg6[%add3A_84, %dma_wait3A_87] : memref<10240x64xf32, #tpu.memory_space<vmem_shared>> -> memref<128x64xf32, #tpu.memory_space<vmem_shared>>
    tpu.wait_dma2 semaphore(%arg14 : memref<!tpu.dma_semaphore, #tpu.memory_space<semaphore_mem>>) src(%arg9 : memref<128x64xf32, #tpu.memory_space<vmem>>) dst(%dma_wait3A_88 : memref<128x64xf32, #tpu.memory_space<vmem_shared>>)
    %mul3A_89 = arith.constant 640 : i32
    %mul3A_90 = arith.muli %arg1, %mul3A_89 : i32
    %add3A_91 = arith.constant 512 : i32
    %add3A_92 = arith.addi %mul3A_90, %add3A_91 : i32
    %dma_wait3A_93 = arith.constant 0 : i32
    %dma_wait3A_94 = tpu.memref_slice %arg6[%add3A_92, %dma_wait3A_93] : memref<10240x64xf32, #tpu.memory_space<vmem_shared>> -> memref<128x64xf32, #tpu.memory_space<vmem_shared>>
    %dma_wait3A_95 = arith.constant 0 : i32
    %dma_wait3A_96 = tpu.memref_slice %arg6[%add3A_92, %dma_wait3A_95] : memref<10240x64xf32, #tpu.memory_space<vmem_shared>> -> memref<128x64xf32, #tpu.memory_space<vmem_shared>>
    tpu.wait_dma2 semaphore(%arg14 : memref<!tpu.dma_semaphore, #tpu.memory_space<semaphore_mem>>) src(%arg9 : memref<128x64xf32, #tpu.memory_space<vmem>>) dst(%dma_wait3A_96 : memref<128x64xf32, #tpu.memory_space<vmem_shared>>)
    %barrier3A = arith.constant 0 : index
    tpu.barrier barrier_id(%barrier3A)
    %mul3A_97 = arith.constant 80 : i32
    %mul3A_98 = arith.muli %add3A, %mul3A_97 : i32
    %add3A_99 = arith.constant 0 : i32
    %add3A_100 = arith.addi %mul3A_98, %add3A_99 : i32
    %dma_wait3A_101 = arith.constant 0 : i32
    %dma_wait3A_102 = tpu.memref_slice %arg3[%add3A_100, %dma_wait3A_101] : memref<2560x128xi32, #tpu.memory_space<hbm>> -> memref<80x128xi32, #tpu.memory_space<hbm>>
    %dma_wait3A_103 = arith.constant 0 : i32
    %dma_wait3A_104 = tpu.memref_slice %arg3[%add3A_100, %dma_wait3A_103] : memref<2560x128xi32, #tpu.memory_space<hbm>> -> memref<80x128xi32, #tpu.memory_space<hbm>>
    tpu.wait_dma2 semaphore(%arg11 : memref<!tpu.dma_semaphore, #tpu.memory_space<semaphore_mem>>) src(%dma_wait3A_104 : memref<80x128xi32, #tpu.memory_space<hbm>>) dst(%arg7 : memref<80x128xi32, #tpu.memory_space<vmem>>)
    %dma_wait3A_105 = arith.constant 0 : i32
    %dma_wait3A_106 = tpu.memref_slice %arg4[%add3A_100, %dma_wait3A_105] : memref<2560x128xi32, #tpu.memory_space<hbm>> -> memref<80x128xi32, #tpu.memory_space<hbm>>
    %dma_wait3A_107 = arith.constant 0 : i32
    %dma_wait3A_108 = tpu.memref_slice %arg4[%add3A_100, %dma_wait3A_107] : memref<2560x128xi32, #tpu.memory_space<hbm>> -> memref<80x128xi32, #tpu.memory_space<hbm>>
    tpu.wait_dma2 semaphore(%arg11 : memref<!tpu.dma_semaphore, #tpu.memory_space<semaphore_mem>>) src(%dma_wait3A_108 : memref<80x128xi32, #tpu.memory_space<hbm>>) dst(%arg8 : memref<80x128xi32, #tpu.memory_space<vmem>>)
    %dma_start3A_109 = arith.constant 0 : i32
    %dma_start3A_110 = arith.constant 0 : i32
    %dma_start3A_111 = tpu.memref_slice %arg7[%dma_start3A_109, %dma_start3A_110] : memref<80x128xi32, #tpu.memory_space<vmem>> -> memref<1x128xi32, #tpu.memory_space<vmem>>
    %dma_start3A_112 = tpu.memref_squeeze %dma_start3A_111 : memref<1x128xi32, #tpu.memory_space<vmem>> -> memref<128xi32, #tpu.memory_space<vmem>>
    %dma_start3A_113 = arith.constant 0 : i32
    %dma_start3A_114 = arith.constant 0 : i32
    %dma_start3A_115 = tpu.memref_slice %arg2[%dma_start3A_113, %dma_start3A_114] : memref<10240x64xf32, #tpu.memory_space<hbm>> -> memref<10240x64xf32, #tpu.memory_space<hbm>>
    tpu.enqueue_indirect_dma source(%dma_start3A_115 : memref<10240x64xf32, #tpu.memory_space<hbm>>) target(%arg9 : memref<128x64xf32, #tpu.memory_space<vmem>>) offsets(%dma_start3A_112 : memref<128xi32, #tpu.memory_space<vmem>>) semaphore(%arg12 : memref<!tpu.dma_semaphore, #tpu.memory_space<semaphore_mem>>)
    %scan3A_116 = arith.constant 0 : i32
    %scan3A_117 = arith.constant 0 : i32
    %scan3A_118 = arith.constant 40 : i32
    %scan3A_119 = arith.addi %scan3A_117, %scan3A_118 : i32
    %scan3A_120 = arith.constant 1 : i32
    %scan3A_121 = scf.for %scan3A_135 = %scan3A_117 to %scan3A_119 step %scan3A_120 iter_args(%scan3A_136 = %scan3A_116) -> (i32)  : i32 {
      %mul3A_137 = arith.constant 2 : i32
      %mul3A_138 = arith.muli %mul3A_137, %scan3A_135 : i32
      %dma_wait3A_139 = arith.constant 0 : i32
      %dma_wait3A_140 = tpu.memref_slice %arg7[%mul3A_138, %dma_wait3A_139] : memref<80x128xi32, #tpu.memory_space<vmem>> -> memref<1x128xi32, #tpu.memory_space<vmem>>
      %dma_wait3A_141 = tpu.memref_squeeze %dma_wait3A_140 : memref<1x128xi32, #tpu.memory_space<vmem>> -> memref<128xi32, #tpu.memory_space<vmem>>
      %dma_wait3A_142 = arith.constant 0 : i32
      %dma_wait3A_143 = arith.constant 0 : i32
      %dma_wait3A_144 = tpu.memref_slice %arg2[%dma_wait3A_142, %dma_wait3A_143] : memref<10240x64xf32, #tpu.memory_space<hbm>> -> memref<10240x64xf32, #tpu.memory_space<hbm>>
      tpu.wait_indirect_dma semaphore(%arg12 : memref<!tpu.dma_semaphore, #tpu.memory_space<semaphore_mem>>) src(%dma_wait3A_144 : memref<10240x64xf32, #tpu.memory_space<hbm>>) dst(%arg9 : memref<128x64xf32, #tpu.memory_space<vmem>>)
      %gt3A = arith.constant 0 : i32
      %gt3A_145 = arith.cmpi sgt, %scan3A_135, %gt3A : i32
      %convert_element_type3A = arith.extui %gt3A_145 : i1 to i32
      %cond3A = arith.constant 0 : i32
      %cond3A_146 = arith.cmpi ne, %convert_element_type3A, %cond3A : i32
      scf.if %cond3A_146 {
        %sub3A = arith.constant 1 : i32
        %sub3A_188 = arith.subi %mul3A_138, %sub3A : i32
        %dma_wait3A_189 = arith.constant 0 : i32
        %dma_wait3A_190 = tpu.memref_slice %arg8[%sub3A_188, %dma_wait3A_189] : memref<80x128xi32, #tpu.memory_space<vmem>> -> memref<1x128xi32, #tpu.memory_space<vmem>>
        %dma_wait3A_191 = tpu.memref_squeeze %dma_wait3A_190 : memref<1x128xi32, #tpu.memory_space<vmem>> -> memref<128xi32, #tpu.memory_space<vmem>>
        %dma_wait3A_192 = arith.constant 0 : i32
        %dma_wait3A_193 = arith.constant 0 : i32
        %dma_wait3A_194 = tpu.memref_slice %arg6[%dma_wait3A_192, %dma_wait3A_193] : memref<10240x64xf32, #tpu.memory_space<vmem_shared>> -> memref<10240x64xf32, #tpu.memory_space<vmem_shared>>
        tpu.wait_indirect_dma semaphore(%arg15 : memref<!tpu.dma_semaphore, #tpu.memory_space<semaphore_mem>>) src(%arg10 : memref<128x64xf32, #tpu.memory_space<vmem>>) dst(%dma_wait3A_194 : memref<10240x64xf32, #tpu.memory_space<vmem_shared>>)
      } else {
      }
      %add3A_147 = arith.constant 1 : i32
      %add3A_148 = arith.addi %mul3A_138, %add3A_147 : i32
      %dma_start3A_149 = arith.constant 0 : i32
      %dma_start3A_150 = tpu.memref_slice %arg7[%add3A_148, %dma_start3A_149] : memref<80x128xi32, #tpu.memory_space<vmem>> -> memref<1x128xi32, #tpu.memory_space<vmem>>
      %dma_start3A_151 = tpu.memref_squeeze %dma_start3A_150 : memref<1x128xi32, #tpu.memory_space<vmem>> -> memref<128xi32, #tpu.memory_space<vmem>>
      %dma_start3A_152 = arith.constant 0 : i32
      %dma_start3A_153 = arith.constant 0 : i32
      %dma_start3A_154 = tpu.memref_slice %arg2[%dma_start3A_152, %dma_start3A_153] : memref<10240x64xf32, #tpu.memory_space<hbm>> -> memref<10240x64xf32, #tpu.memory_space<hbm>>
      tpu.enqueue_indirect_dma source(%dma_start3A_154 : memref<10240x64xf32, #tpu.memory_space<hbm>>) target(%arg10 : memref<128x64xf32, #tpu.memory_space<vmem>>) offsets(%dma_start3A_151 : memref<128xi32, #tpu.memory_space<vmem>>) semaphore(%arg13 : memref<!tpu.dma_semaphore, #tpu.memory_space<semaphore_mem>>)
      %dma_start3A_155 = arith.constant 0 : i32
      %dma_start3A_156 = tpu.memref_slice %arg8[%mul3A_138, %dma_start3A_155] : memref<80x128xi32, #tpu.memory_space<vmem>> -> memref<1x128xi32, #tpu.memory_space<vmem>>
      %dma_start3A_157 = tpu.memref_squeeze %dma_start3A_156 : memref<1x128xi32, #tpu.memory_space<vmem>> -> memref<128xi32, #tpu.memory_space<vmem>>
      %dma_start3A_158 = arith.constant 0 : i32
      %dma_start3A_159 = arith.constant 0 : i32
      %dma_start3A_160 = tpu.memref_slice %arg6[%dma_start3A_158, %dma_start3A_159] : memref<10240x64xf32, #tpu.memory_space<vmem_shared>> -> memref<10240x64xf32, #tpu.memory_space<vmem_shared>>
      tpu.enqueue_indirect_dma source(%arg9 : memref<128x64xf32, #tpu.memory_space<vmem>>) target(%dma_start3A_160 : memref<10240x64xf32, #tpu.memory_space<vmem_shared>>) offsets(%dma_start3A_157 : memref<128xi32, #tpu.memory_space<vmem>>) semaphore(%arg14 : memref<!tpu.dma_semaphore, #tpu.memory_space<semaphore_mem>>) {add = true}
      %add3A_161 = arith.constant 1 : i32
      %add3A_162 = arith.addi %mul3A_138, %add3A_161 : i32
      %dma_wait3A_163 = arith.constant 0 : i32
      %dma_wait3A_164 = tpu.memref_slice %arg7[%add3A_162, %dma_wait3A_163] : memref<80x128xi32, #tpu.memory_space<vmem>> -> memref<1x128xi32, #tpu.memory_space<vmem>>
      %dma_wait3A_165 = tpu.memref_squeeze %dma_wait3A_164 : memref<1x128xi32, #tpu.memory_space<vmem>> -> memref<128xi32, #tpu.memory_space<vmem>>
      %dma_wait3A_166 = arith.constant 0 : i32
      %dma_wait3A_167 = arith.constant 0 : i32
      %dma_wait3A_168 = tpu.memref_slice %arg2[%dma_wait3A_166, %dma_wait3A_167] : memref<10240x64xf32, #tpu.memory_space<hbm>> -> memref<10240x64xf32, #tpu.memory_space<hbm>>
      tpu.wait_indirect_dma semaphore(%arg13 : memref<!tpu.dma_semaphore, #tpu.memory_space<semaphore_mem>>) src(%dma_wait3A_168 : memref<10240x64xf32, #tpu.memory_space<hbm>>) dst(%arg10 : memref<128x64xf32, #tpu.memory_space<vmem>>)
      %dma_wait3A_169 = arith.constant 0 : i32
      %dma_wait3A_170 = tpu.memref_slice %arg8[%mul3A_138, %dma_wait3A_169] : memref<80x128xi32, #tpu.memory_space<vmem>> -> memref<1x128xi32, #tpu.memory_space<vmem>>
      %dma_wait3A_171 = tpu.memref_squeeze %dma_wait3A_170 : memref<1x128xi32, #tpu.memory_space<vmem>> -> memref<128xi32, #tpu.memory_space<vmem>>
      %dma_wait3A_172 = arith.constant 0 : i32
      %dma_wait3A_173 = arith.constant 0 : i32
      %dma_wait3A_174 = tpu.memref_slice %arg6[%dma_wait3A_172, %dma_wait3A_173] : memref<10240x64xf32, #tpu.memory_space<vmem_shared>> -> memref<10240x64xf32, #tpu.memory_space<vmem_shared>>
      tpu.wait_indirect_dma semaphore(%arg14 : memref<!tpu.dma_semaphore, #tpu.memory_space<semaphore_mem>>) src(%arg9 : memref<128x64xf32, #tpu.memory_space<vmem>>) dst(%dma_wait3A_174 : memref<10240x64xf32, #tpu.memory_space<vmem_shared>>)
      %lt3A = arith.constant 39 : i32
      %lt3A_175 = arith.cmpi slt, %scan3A_135, %lt3A : i32
      %convert_element_type3A_176 = arith.extui %lt3A_175 : i1 to i32
      %cond3A_177 = arith.constant 0 : i32
      %cond3A_178 = arith.cmpi ne, %convert_element_type3A_176, %cond3A_177 : i32
      scf.if %cond3A_178 {
        %add3A_188 = arith.constant 2 : i32
        %add3A_189 = arith.addi %mul3A_138, %add3A_188 : i32
        %dma_start3A_190 = arith.constant 0 : i32
        %dma_start3A_191 = tpu.memref_slice %arg7[%add3A_189, %dma_start3A_190] : memref<80x128xi32, #tpu.memory_space<vmem>> -> memref<1x128xi32, #tpu.memory_space<vmem>>
        %dma_start3A_192 = tpu.memref_squeeze %dma_start3A_191 : memref<1x128xi32, #tpu.memory_space<vmem>> -> memref<128xi32, #tpu.memory_space<vmem>>
        %dma_start3A_193 = arith.constant 0 : i32
        %dma_start3A_194 = arith.constant 0 : i32
        %dma_start3A_195 = tpu.memref_slice %arg2[%dma_start3A_193, %dma_start3A_194] : memref<10240x64xf32, #tpu.memory_space<hbm>> -> memref<10240x64xf32, #tpu.memory_space<hbm>>
        tpu.enqueue_indirect_dma source(%dma_start3A_195 : memref<10240x64xf32, #tpu.memory_space<hbm>>) target(%arg9 : memref<128x64xf32, #tpu.memory_space<vmem>>) offsets(%dma_start3A_192 : memref<128xi32, #tpu.memory_space<vmem>>) semaphore(%arg12 : memref<!tpu.dma_semaphore, #tpu.memory_space<semaphore_mem>>)
      } else {
      }
      %add3A_179 = arith.constant 1 : i32
      %add3A_180 = arith.addi %mul3A_138, %add3A_179 : i32
      %dma_start3A_181 = arith.constant 0 : i32
      %dma_start3A_182 = tpu.memref_slice %arg8[%add3A_180, %dma_start3A_181] : memref<80x128xi32, #tpu.memory_space<vmem>> -> memref<1x128xi32, #tpu.memory_space<vmem>>
      %dma_start3A_183 = tpu.memref_squeeze %dma_start3A_182 : memref<1x128xi32, #tpu.memory_space<vmem>> -> memref<128xi32, #tpu.memory_space<vmem>>
      %dma_start3A_184 = arith.constant 0 : i32
      %dma_start3A_185 = arith.constant 0 : i32
      %dma_start3A_186 = tpu.memref_slice %arg6[%dma_start3A_184, %dma_start3A_185] : memref<10240x64xf32, #tpu.memory_space<vmem_shared>> -> memref<10240x64xf32, #tpu.memory_space<vmem_shared>>
      tpu.enqueue_indirect_dma source(%arg10 : memref<128x64xf32, #tpu.memory_space<vmem>>) target(%dma_start3A_186 : memref<10240x64xf32, #tpu.memory_space<vmem_shared>>) offsets(%dma_start3A_183 : memref<128xi32, #tpu.memory_space<vmem>>) semaphore(%arg15 : memref<!tpu.dma_semaphore, #tpu.memory_space<semaphore_mem>>) {add = true}
      %scan3A_187 = arith.constant 0 : i32
      scf.yield %scan3A_187 : i32
    }
    %scan3A_122 = arith.constant 40 : i32
    %dma_wait3A_123 = arith.constant 79 : i32
    %dma_wait3A_124 = arith.constant 0 : i32
    %dma_wait3A_125 = tpu.memref_slice %arg8[%dma_wait3A_123, %dma_wait3A_124] : memref<80x128xi32, #tpu.memory_space<vmem>> -> memref<1x128xi32, #tpu.memory_space<vmem>>
    %dma_wait3A_126 = tpu.memref_squeeze %dma_wait3A_125 : memref<1x128xi32, #tpu.memory_space<vmem>> -> memref<128xi32, #tpu.memory_space<vmem>>
    %dma_wait3A_127 = arith.constant 0 : i32
    %dma_wait3A_128 = arith.constant 0 : i32
    %dma_wait3A_129 = tpu.memref_slice %arg6[%dma_wait3A_127, %dma_wait3A_128] : memref<10240x64xf32, #tpu.memory_space<vmem_shared>> -> memref<10240x64xf32, #tpu.memory_space<vmem_shared>>
    tpu.wait_indirect_dma semaphore(%arg15 : memref<!tpu.dma_semaphore, #tpu.memory_space<semaphore_mem>>) src(%arg10 : memref<128x64xf32, #tpu.memory_space<vmem>>) dst(%dma_wait3A_129 : memref<10240x64xf32, #tpu.memory_space<vmem_shared>>)
    %barrier3A_130 = arith.constant 0 : index
    tpu.barrier barrier_id(%barrier3A_130)
    %mul3A_131 = arith.constant 640 : i32
    %mul3A_132 = arith.muli %arg1, %mul3A_131 : i32
    %mul3A_133 = arith.constant 640 : i32
    %mul3A_134 = arith.muli %arg1, %mul3A_133 : i32
    "tpu.region"() ({
      %run_scoped3A = tpu.sem_alloc : memref<!tpu.dma_semaphore, #tpu.memory_space<semaphore_mem>>
      %dma_start3A_135 = arith.constant 0 : i32
      %dma_start3A_136 = tpu.memref_slice %arg5[%arg0, %mul3A_134, %dma_start3A_135] : memref<2x10240x64xf32, #tpu.memory_space<hbm>> -> memref<1x640x64xf32, #tpu.memory_space<hbm>>
      %dma_start3A_137 = tpu.memref_squeeze %dma_start3A_136 : memref<1x640x64xf32, #tpu.memory_space<hbm>> -> memref<640x64xf32, #tpu.memory_space<hbm>>
      %dma_start3A_138 = arith.constant 0 : i32
      %dma_start3A_139 = tpu.memref_slice %arg6[%mul3A_132, %dma_start3A_138] : memref<10240x64xf32, #tpu.memory_space<vmem_shared>> -> memref<640x64xf32, #tpu.memory_space<vmem_shared>>
      tpu.enqueue_dma source(%dma_start3A_139 : memref<640x64xf32, #tpu.memory_space<vmem_shared>>) target(%dma_start3A_137 : memref<640x64xf32, #tpu.memory_space<hbm>>) target_semaphore(%run_scoped3A : memref<!tpu.dma_semaphore, #tpu.memory_space<semaphore_mem>>)
      %dma_wait3A_140 = arith.constant 0 : i32
      %dma_wait3A_141 = tpu.memref_slice %arg5[%arg0, %mul3A_134, %dma_wait3A_140] : memref<2x10240x64xf32, #tpu.memory_space<hbm>> -> memref<1x640x64xf32, #tpu.memory_space<hbm>>
      %dma_wait3A_142 = tpu.memref_squeeze %dma_wait3A_141 : memref<1x640x64xf32, #tpu.memory_space<hbm>> -> memref<640x64xf32, #tpu.memory_space<hbm>>
      %dma_wait3A_143 = arith.constant 0 : i32
      %dma_wait3A_144 = tpu.memref_slice %arg6[%mul3A_132, %dma_wait3A_143] : memref<10240x64xf32, #tpu.memory_space<vmem_shared>> -> memref<640x64xf32, #tpu.memory_space<vmem_shared>>
      tpu.wait_dma2 semaphore(%run_scoped3A : memref<!tpu.dma_semaphore, #tpu.memory_space<semaphore_mem>>) src(%dma_wait3A_144 : memref<640x64xf32, #tpu.memory_space<vmem_shared>>) dst(%dma_wait3A_142 : memref<640x64xf32, #tpu.memory_space<hbm>>)
      tpu.yield
    }) : () -> ()
    return
  }
}

module attributes {stable_mosaic.version = 14 : i64} {
  func.func @body(%arg0: i32, %arg1: memref<640x128xf32, #tpu.memory_space<vmem>>, %arg2: memref<128x128xf32, #tpu.memory_space<vmem>>, %arg3: memref<2x640xf32, #tpu.memory_space<vmem>>, %arg4: memref<640x128xf32, #tpu.memory_space<vmem>>, %arg5: memref<640x1xf32, #tpu.memory_space<vmem>>) attributes {dimension_semantics = [#tpu.dimension_semantics<arbitrary>], iteration_bounds = array<i64: 16>, scalar_prefetch = 0 : i64, scratch_operands = 0 : i64, tpu.core_type = #tpu.core_type<tc>, window_params = [{transform_indices = @transform_0, window_bounds = array<i64: 640, 128>}, {pipeline_mode = #tpu.pipeline_mode<synchronous>, transform_indices = @transform_1, window_bounds = array<i64: 128, 128>}, {transform_indices = @transform_2, window_bounds = array<i64: 2, 640>}, {transform_indices = @transform_3, window_bounds = array<i64: 640, 128>}, {transform_indices = @transform_4, window_bounds = array<i64: 640, 1>}]} {
    %get3A = arith.constant 0 : index
    %get3A_0 = arith.constant 0 : index
    %get3A_1 = vector.load %arg3[%get3A, %get3A_0] : memref<2x640xf32, #tpu.memory_space<vmem>>, vector<1x640xf32>
    %get3A_2 = vector.shape_cast %get3A_1 : vector<1x640xf32> to vector<640xf32>
    %get3A_3 = arith.constant 1 : index
    %get3A_4 = arith.constant 0 : index
    %get3A_5 = vector.load %arg3[%get3A_3, %get3A_4] : memref<2x640xf32, #tpu.memory_space<vmem>>, vector<1x640xf32>
    %get3A_6 = vector.shape_cast %get3A_5 : vector<1x640xf32> to vector<640xf32>
    %add3A = arith.addf %get3A_2, %get3A_6 : vector<640xf32>
    %add3A_7 = arith.constant 1.000000e+00 : f32
    %add3A_8 = vector.broadcast %add3A_7 : f32 to vector<640xf32>
    %add3A_9 = arith.addf %add3A, %add3A_8 : vector<640xf32>
    %rsqrt3A = math.rsqrt %add3A_9 : vector<640xf32>
    %get3A_10 = arith.constant 0 : index
    %get3A_11 = arith.constant 0 : index
    %get3A_12 = vector.load %arg1[%get3A_10, %get3A_11] : memref<640x128xf32, #tpu.memory_space<vmem>>, vector<640x128xf32>
    %get3A_13 = arith.constant 0 : index
    %get3A_14 = arith.constant 0 : index
    %get3A_15 = vector.load %arg2[%get3A_13, %get3A_14] : memref<128x128xf32, #tpu.memory_space<vmem>>, vector<128x128xf32>
    %dot_general3A = arith.constant dense<0.000000e+00> : vector<640x128xf32>
    %dot_general3A_16 = tpu.matmul %get3A_12, %get3A_15, %dot_general3A {dimension_numbers = #tpu.dot_dimension_numbers<[1], [0], [0], [1], [0, 0, 1, 1], [], []>, transpose_lhs_hint = false} : vector<640x128xf32>, vector<128x128xf32>, vector<640x128xf32> -> vector<640x128xf32>
    %broadcast_in_dim3A = vector.shape_cast %rsqrt3A : vector<640xf32> to vector<640x1xf32>
    %mul3A = vector.broadcast %broadcast_in_dim3A : vector<640x1xf32> to vector<640x128xf32>
    %mul3A_17 = arith.mulf %dot_general3A_16, %mul3A : vector<640x128xf32>
    %swap3A = arith.constant 0 : index
    %swap3A_18 = arith.constant 0 : index
    %swap3A_19 = vector.load %arg4[%swap3A, %swap3A_18] : memref<640x128xf32, #tpu.memory_space<vmem>>, vector<640x128xf32>
    tpu.vector_store %arg4[%swap3A, %swap3A_18], %mul3A_17 {strides = array<i32>} : memref<640x128xf32, #tpu.memory_space<vmem>>, vector<640x128xf32>,
    %broadcast_in_dim3A_20 = vector.shape_cast %rsqrt3A : vector<640xf32> to vector<640x1xf32>
    %swap3A_21 = arith.constant 0 : index
    %swap3A_22 = arith.constant 0 : index
    %swap3A_23 = vector.load %arg5[%swap3A_21, %swap3A_22] : memref<640x1xf32, #tpu.memory_space<vmem>>, vector<640x1xf32>
    tpu.vector_store %arg5[%swap3A_21, %swap3A_22], %broadcast_in_dim3A_20 {strides = array<i32>} : memref<640x1xf32, #tpu.memory_space<vmem>>, vector<640x1xf32>,
    return
  }
  func.func @transform_0(%arg0: i32) -> (i32, i32) {
    %c0_i32 = arith.constant 0 : i32
    %c0_i32_0 = arith.constant 0 : i32
    return %arg0, %c0_i32 : i32, i32
  }
  func.func @transform_1(%arg0: i32) -> (i32, i32) {
    %c0_i32 = arith.constant 0 : i32
    %c0_i32_0 = arith.constant 0 : i32
    %c0_i32_1 = arith.constant 0 : i32
    return %c0_i32, %c0_i32_0 : i32, i32
  }
  func.func @transform_2(%arg0: i32) -> (i32, i32) {
    %c0_i32 = arith.constant 0 : i32
    %c0_i32_0 = arith.constant 0 : i32
    return %c0_i32, %arg0 : i32, i32
  }
  func.func @transform_3(%arg0: i32) -> (i32, i32) {
    %c0_i32 = arith.constant 0 : i32
    %c0_i32_0 = arith.constant 0 : i32
    return %arg0, %c0_i32 : i32, i32
  }
  func.func @transform_4(%arg0: i32) -> (i32, i32) {
    %c0_i32 = arith.constant 0 : i32
    %c0_i32_0 = arith.constant 0 : i32
    return %arg0, %c0_i32 : i32, i32
  }
}

module attributes {stable_mosaic.version = 14 : i64} {
  func.func @body(%arg0: i32, %arg1: memref<2x640x128xf32, #tpu.memory_space<vmem>>, %arg2: memref<640x128xf32, #tpu.memory_space<vmem>>, %arg3: memref<640x1xf32, #tpu.memory_space<vmem>>, %arg4: memref<1x128xf32, #tpu.memory_space<vmem>>, %arg5: memref<128x64xf32, #tpu.memory_space<vmem>>, %arg6: memref<640x64xf32, #tpu.memory_space<vmem>>) attributes {dimension_semantics = [#tpu.dimension_semantics<arbitrary>], iteration_bounds = array<i64: 16>, scalar_prefetch = 0 : i64, scratch_operands = 0 : i64, tpu.core_type = #tpu.core_type<tc>, window_params = [{transform_indices = @transform_0, window_bounds = array<i64: 2, 640, 128>}, {transform_indices = @transform_1, window_bounds = array<i64: 640, 128>}, {transform_indices = @transform_2, window_bounds = array<i64: 640, 1>}, {pipeline_mode = #tpu.pipeline_mode<synchronous>, transform_indices = @transform_3, window_bounds = array<i64: 1, 128>}, {pipeline_mode = #tpu.pipeline_mode<synchronous>, transform_indices = @transform_4, window_bounds = array<i64: 128, 64>}, {transform_indices = @transform_5, window_bounds = array<i64: 640, 64>}]} {
    %get3A = arith.constant 0 : index
    %get3A_0 = arith.constant 0 : index
    %get3A_1 = vector.load %arg3[%get3A, %get3A_0] : memref<640x1xf32, #tpu.memory_space<vmem>>, vector<640x1xf32>
    %get3A_2 = arith.constant 0 : index
    %get3A_3 = arith.constant 0 : index
    %get3A_4 = arith.constant 0 : index
    %get3A_5 = vector.load %arg1[%get3A_2, %get3A_3, %get3A_4] : memref<2x640x128xf32, #tpu.memory_space<vmem>>, vector<1x640x128xf32>
    %get3A_6 = vector.shape_cast %get3A_5 : vector<1x640x128xf32> to vector<640x128xf32>
    %get3A_7 = arith.constant 1 : index
    %get3A_8 = arith.constant 0 : index
    %get3A_9 = arith.constant 0 : index
    %get3A_10 = vector.load %arg1[%get3A_7, %get3A_8, %get3A_9] : memref<2x640x128xf32, #tpu.memory_space<vmem>>, vector<1x640x128xf32>
    %get3A_11 = vector.shape_cast %get3A_10 : vector<1x640x128xf32> to vector<640x128xf32>
    %add3A = arith.addf %get3A_6, %get3A_11 : vector<640x128xf32>
    %get3A_12 = arith.constant 0 : index
    %get3A_13 = arith.constant 0 : index
    %get3A_14 = vector.load %arg2[%get3A_12, %get3A_13] : memref<640x128xf32, #tpu.memory_space<vmem>>, vector<640x128xf32>
    %add3A_15 = arith.addf %add3A, %get3A_14 : vector<640x128xf32>
    %mul3A = vector.broadcast %get3A_1 : vector<640x1xf32> to vector<640x128xf32>
    %mul3A_16 = arith.mulf %mul3A, %add3A_15 : vector<640x128xf32>
    %get3A_17 = arith.constant 0 : index
    %get3A_18 = arith.constant 0 : index
    %get3A_19 = vector.load %arg4[%get3A_17, %get3A_18] : memref<1x128xf32, #tpu.memory_space<vmem>>, vector<1x128xf32>
    %get3A_20 = vector.shape_cast %get3A_19 : vector<1x128xf32> to vector<128xf32>
    %broadcast_in_dim3A = vector.shape_cast %get3A_20 : vector<128xf32> to vector<1x128xf32>
    %add3A_21 = vector.broadcast %broadcast_in_dim3A : vector<1x128xf32> to vector<640x128xf32>
    %add3A_22 = arith.addf %mul3A_16, %add3A_21 : vector<640x128xf32>
    %max3A = arith.constant 0.000000e+00 : f32
    %max3A_23 = vector.broadcast %max3A : f32 to vector<640x128xf32>
    %max3A_24 = arith.maximumf %add3A_22, %max3A_23 : vector<640x128xf32>
    %get3A_25 = arith.constant 0 : index
    %get3A_26 = arith.constant 0 : index
    %get3A_27 = vector.load %arg5[%get3A_25, %get3A_26] : memref<128x64xf32, #tpu.memory_space<vmem>>, vector<128x64xf32>
    %dot_general3A = arith.constant dense<0.000000e+00> : vector<640x64xf32>
    %dot_general3A_28 = tpu.matmul %max3A_24, %get3A_27, %dot_general3A {dimension_numbers = #tpu.dot_dimension_numbers<[1], [0], [0], [1], [0, 0, 1, 1], [], []>, transpose_lhs_hint = false} : vector<640x128xf32>, vector<128x64xf32>, vector<640x64xf32> -> vector<640x64xf32>
    %mul3A_29 = vector.broadcast %get3A_1 : vector<640x1xf32> to vector<640x64xf32>
    %mul3A_30 = arith.mulf %dot_general3A_28, %mul3A_29 : vector<640x64xf32>
    %swap3A = arith.constant 0 : index
    %swap3A_31 = arith.constant 0 : index
    %swap3A_32 = vector.load %arg6[%swap3A, %swap3A_31] : memref<640x64xf32, #tpu.memory_space<vmem>>, vector<640x64xf32>
    tpu.vector_store %arg6[%swap3A, %swap3A_31], %mul3A_30 {strides = array<i32>} : memref<640x64xf32, #tpu.memory_space<vmem>>, vector<640x64xf32>,
    return
  }
  func.func @transform_0(%arg0: i32) -> (i32, i32, i32) {
    %c0_i32 = arith.constant 0 : i32
    %c0_i32_0 = arith.constant 0 : i32
    %c0_i32_1 = arith.constant 0 : i32
    return %c0_i32, %arg0, %c0_i32_0 : i32, i32, i32
  }
  func.func @transform_1(%arg0: i32) -> (i32, i32) {
    %c0_i32 = arith.constant 0 : i32
    %c0_i32_0 = arith.constant 0 : i32
    return %arg0, %c0_i32 : i32, i32
  }
  func.func @transform_2(%arg0: i32) -> (i32, i32) {
    %c0_i32 = arith.constant 0 : i32
    %c0_i32_0 = arith.constant 0 : i32
    return %arg0, %c0_i32 : i32, i32
  }
  func.func @transform_3(%arg0: i32) -> (i32, i32) {
    %c0_i32 = arith.constant 0 : i32
    %c0_i32_0 = arith.constant 0 : i32
    %c0_i32_1 = arith.constant 0 : i32
    return %c0_i32, %c0_i32_0 : i32, i32
  }
  func.func @transform_4(%arg0: i32) -> (i32, i32) {
    %c0_i32 = arith.constant 0 : i32
    %c0_i32_0 = arith.constant 0 : i32
    %c0_i32_1 = arith.constant 0 : i32
    return %c0_i32, %c0_i32_0 : i32, i32
  }
  func.func @transform_5(%arg0: i32) -> (i32, i32) {
    %c0_i32 = arith.constant 0 : i32
    %c0_i32_0 = arith.constant 0 : i32
    return %arg0, %c0_i32 : i32, i32
  }
}

module attributes {stable_mosaic.version = 14 : i64} {
  func.func @body(%arg0: i32, %arg1: memref<2x640x64xf32, #tpu.memory_space<vmem>>, %arg2: memref<640x64xf32, #tpu.memory_space<vmem>>, %arg3: memref<640x1xf32, #tpu.memory_space<vmem>>, %arg4: memref<1x64xf32, #tpu.memory_space<vmem>>, %arg5: memref<64x16xf32, #tpu.memory_space<vmem>>, %arg6: memref<1x16xf32, #tpu.memory_space<vmem>>, %arg7: memref<640x16xf32, #tpu.memory_space<vmem>>) attributes {dimension_semantics = [#tpu.dimension_semantics<arbitrary>], iteration_bounds = array<i64: 16>, scalar_prefetch = 0 : i64, scratch_operands = 0 : i64, tpu.core_type = #tpu.core_type<tc>, window_params = [{transform_indices = @transform_0, window_bounds = array<i64: 2, 640, 64>}, {transform_indices = @transform_1, window_bounds = array<i64: 640, 64>}, {transform_indices = @transform_2, window_bounds = array<i64: 640, 1>}, {pipeline_mode = #tpu.pipeline_mode<synchronous>, transform_indices = @transform_3, window_bounds = array<i64: 1, 64>}, {pipeline_mode = #tpu.pipeline_mode<synchronous>, transform_indices = @transform_4, window_bounds = array<i64: 64, 16>}, {pipeline_mode = #tpu.pipeline_mode<synchronous>, transform_indices = @transform_5, window_bounds = array<i64: 1, 16>}, {transform_indices = @transform_6, window_bounds = array<i64: 640, 16>}]} {
    %get3A = arith.constant 0 : index
    %get3A_0 = arith.constant 0 : index
    %get3A_1 = vector.load %arg3[%get3A, %get3A_0] : memref<640x1xf32, #tpu.memory_space<vmem>>, vector<640x1xf32>
    %get3A_2 = arith.constant 0 : index
    %get3A_3 = arith.constant 0 : index
    %get3A_4 = arith.constant 0 : index
    %get3A_5 = vector.load %arg1[%get3A_2, %get3A_3, %get3A_4] : memref<2x640x64xf32, #tpu.memory_space<vmem>>, vector<1x640x64xf32>
    %get3A_6 = vector.shape_cast %get3A_5 : vector<1x640x64xf32> to vector<640x64xf32>
    %get3A_7 = arith.constant 1 : index
    %get3A_8 = arith.constant 0 : index
    %get3A_9 = arith.constant 0 : index
    %get3A_10 = vector.load %arg1[%get3A_7, %get3A_8, %get3A_9] : memref<2x640x64xf32, #tpu.memory_space<vmem>>, vector<1x640x64xf32>
    %get3A_11 = vector.shape_cast %get3A_10 : vector<1x640x64xf32> to vector<640x64xf32>
    %add3A = arith.addf %get3A_6, %get3A_11 : vector<640x64xf32>
    %get3A_12 = arith.constant 0 : index
    %get3A_13 = arith.constant 0 : index
    %get3A_14 = vector.load %arg2[%get3A_12, %get3A_13] : memref<640x64xf32, #tpu.memory_space<vmem>>, vector<640x64xf32>
    %add3A_15 = arith.addf %add3A, %get3A_14 : vector<640x64xf32>
    %mul3A = vector.broadcast %get3A_1 : vector<640x1xf32> to vector<640x64xf32>
    %mul3A_16 = arith.mulf %mul3A, %add3A_15 : vector<640x64xf32>
    %get3A_17 = arith.constant 0 : index
    %get3A_18 = arith.constant 0 : index
    %get3A_19 = vector.load %arg4[%get3A_17, %get3A_18] : memref<1x64xf32, #tpu.memory_space<vmem>>, vector<1x64xf32>
    %get3A_20 = vector.shape_cast %get3A_19 : vector<1x64xf32> to vector<64xf32>
    %broadcast_in_dim3A = vector.shape_cast %get3A_20 : vector<64xf32> to vector<1x64xf32>
    %add3A_21 = vector.broadcast %broadcast_in_dim3A : vector<1x64xf32> to vector<640x64xf32>
    %add3A_22 = arith.addf %mul3A_16, %add3A_21 : vector<640x64xf32>
    %max3A = arith.constant 0.000000e+00 : f32
    %max3A_23 = vector.broadcast %max3A : f32 to vector<640x64xf32>
    %max3A_24 = arith.maximumf %add3A_22, %max3A_23 : vector<640x64xf32>
    %get3A_25 = arith.constant 0 : index
    %get3A_26 = arith.constant 0 : index
    %get3A_27 = vector.load %arg5[%get3A_25, %get3A_26] : memref<64x16xf32, #tpu.memory_space<vmem>>, vector<64x16xf32>
    %dot_general3A = arith.constant dense<0.000000e+00> : vector<640x16xf32>
    %dot_general3A_28 = tpu.matmul %max3A_24, %get3A_27, %dot_general3A {dimension_numbers = #tpu.dot_dimension_numbers<[1], [0], [0], [1], [0, 0, 1, 1], [], []>, transpose_lhs_hint = false} : vector<640x64xf32>, vector<64x16xf32>, vector<640x16xf32> -> vector<640x16xf32>
    %get3A_29 = arith.constant 0 : index
    %get3A_30 = arith.constant 0 : index
    %get3A_31 = vector.load %arg6[%get3A_29, %get3A_30] : memref<1x16xf32, #tpu.memory_space<vmem>>, vector<1x16xf32>
    %get3A_32 = vector.shape_cast %get3A_31 : vector<1x16xf32> to vector<16xf32>
    %broadcast_in_dim3A_33 = vector.shape_cast %get3A_32 : vector<16xf32> to vector<1x16xf32>
    %add3A_34 = vector.broadcast %broadcast_in_dim3A_33 : vector<1x16xf32> to vector<640x16xf32>
    %add3A_35 = arith.addf %dot_general3A_28, %add3A_34 : vector<640x16xf32>
    %swap3A = arith.constant 0 : index
    %swap3A_36 = arith.constant 0 : index
    %swap3A_37 = vector.load %arg7[%swap3A, %swap3A_36] : memref<640x16xf32, #tpu.memory_space<vmem>>, vector<640x16xf32>
    tpu.vector_store %arg7[%swap3A, %swap3A_36], %add3A_35 {strides = array<i32>} : memref<640x16xf32, #tpu.memory_space<vmem>>, vector<640x16xf32>,
    return
  }
  func.func @transform_0(%arg0: i32) -> (i32, i32, i32) {
    %c0_i32 = arith.constant 0 : i32
    %c0_i32_0 = arith.constant 0 : i32
    %c0_i32_1 = arith.constant 0 : i32
    return %c0_i32, %arg0, %c0_i32_0 : i32, i32, i32
  }
  func.func @transform_1(%arg0: i32) -> (i32, i32) {
    %c0_i32 = arith.constant 0 : i32
    %c0_i32_0 = arith.constant 0 : i32
    return %arg0, %c0_i32 : i32, i32
  }
  func.func @transform_2(%arg0: i32) -> (i32, i32) {
    %c0_i32 = arith.constant 0 : i32
    %c0_i32_0 = arith.constant 0 : i32
    return %arg0, %c0_i32 : i32, i32
  }
  func.func @transform_3(%arg0: i32) -> (i32, i32) {
    %c0_i32 = arith.constant 0 : i32
    %c0_i32_0 = arith.constant 0 : i32
    %c0_i32_1 = arith.constant 0 : i32
    return %c0_i32, %c0_i32_0 : i32, i32
  }
  func.func @transform_4(%arg0: i32) -> (i32, i32) {
    %c0_i32 = arith.constant 0 : i32
    %c0_i32_0 = arith.constant 0 : i32
    %c0_i32_1 = arith.constant 0 : i32
    return %c0_i32, %c0_i32_0 : i32, i32
  }
  func.func @transform_5(%arg0: i32) -> (i32, i32) {
    %c0_i32 = arith.constant 0 : i32
    %c0_i32_0 = arith.constant 0 : i32
    %c0_i32_1 = arith.constant 0 : i32
    return %c0_i32, %c0_i32_0 : i32, i32
  }
  func.func @transform_6(%arg0: i32) -> (i32, i32) {
    %c0_i32 = arith.constant 0 : i32
    %c0_i32_0 = arith.constant 0 : i32
    return %arg0, %c0_i32 : i32, i32
  }
}

</mosaic_0001>

<sc_bundles>
// kernel: kernel.11.cloned.1.call-start
scs
__scs_entry_jumppad:
0x0: {  	(pc) =	sbr.rel $0x88, $3  }
0x1: {  	(tag) =	ssettag $0x0;
	lr =	simm.s32 $0x1  }
0x2: {  	[smem:$0x3F99] =	sst lr;
	_ =	strace $0xD0000000  }
0x3: {  	_ = 	snop  }
0x4: {  	_ = 	snop  }
0x5: {  	_ = 	snop  }
0x6: {  	_ = 	snop  }
0x7: {  	_ = 	snop  }
__scs_overlays_trampoline_lowered:
0x8: {  	[smem:$0x3FA8] =	sst s0  }
0x9: {  	[smem:$0x3FA9] =	sst s1  }
0xa: {  	[smem:$0x3FAA] =	sst s2  }
0xb: {  	[smem:$0x3FAB] =	sst s3  }
0xc: {  	[smem:$0x3FAC] =	sst s4  }
0xd: {  	[smem:$0x3FAD] =	sst s5  }
0xe: {  	[smem:$0x3FAE] =	sst s6  }
0xf: {  	[smem:$0x3FAF] =	sst s7  }
0x10: {  	[smem:$0x3FB0] =	sst s8  }
0x11: {  	[smem:$0x3FB1] =	sst s9;
	s0 =	simm.s32 @!p0 $0x0  }
0x12: {  	s1 =	sld [smem:$0x3F97];
	s0 =	simm.s32 @p0 $0x1  }
0x13: {  	[smem:$0x3FB2] =	sst s0;
	s0 =	simm.s32 @!p1 $0x0  }
0x14: {  	s2 =	sld [smem:$0x3F96];
	s0 =	simm.s32 @p1 $0x1  }
0x15: {  	[smem:$0x3FB3] =	sst s0;
	s0 =	simm.s32 @!p2 $0x0  }
0x16: {  	s3 =	sld [smem:$0x3FDB];
	s0 =	simm.s32 @p2 $0x1  }
0x17: {  	s4 =	simm.s32 $0x1BF5;
	[smem:$0x3FB5] =	sst s0  }
0x18: {  	s0 =	sld [smem:$0x3F98];
	_ =	swait.ge [sflag:s4], $0x0  }
0x19: {  	s7 =	sld [smem:$0x3F99]  }
0x1a: {  	s8 =	sadd.s32 $0xFFFFE003, lr  }
0x1b: {  	s9 =	sadd.s32 $0xFFFFFEF7, lr;
	s5 =	simm.s32 $0xFFFFFFFF;
	p2 =	slt.u32 s8, $0xFFFFF086  }
0x1c: {  	p1 =	slt.u32 s9, $0xF7A;
	s5 =	simm.s32 @!p2 $0x0  }
0x1d: {  	s5 =	simm.s32 @p1 $0x1;
	p0 =	seq.s32 s7, s2  }
0x1e: {  	s7 =	smul.u32 @!p0 $0xF7A, s2;
	p2 =	seq.s32 @!p0 s5, $0x0  }
0x1f: {  	s9 =	smul.u32 $0xF7A, s1;
	s8 =	simm.s32 @!p0 $0x1BF5;
	p2 =	por !p2, p0  }
0x20: {  	[sflag:s8] =	ssyncset.s32 @!p0 $0xFFFFF086;
	s6 =	sadd.s32 @!p0 s3, s7;
	s7 =	simm.s32 @!p0 $0x108  }
0x21: {  	s3 =	sadd.s32 s3, s9;
	s6 =	sadd.s32 @!p0 $0x88, s6;
	s7 =	simm.s32 @p2 $0x1082  }
0x22: {  	[simem:s7], [sflag:s8] =	dma.local @!p0 [hbm:s6], $0xF7A  }
0x23: {  	s9 =	sor.u32 $0xD0000000, s2;
	s6 =	simm.s32 $0x108;
	_ =	swait.ge @!p0 [sflag:s8], $0x0  }
0x24: {  	s3 =	sadd.s32 $0x88, s3;
	s6 =	simm.s32 @!p1 $0x1082;
	[sflag:s4] =	ssyncset.s32 $0xFFFFF086  }
0x25: {  	[simem:s6], [sflag:s4] =	dma.local [hbm:s3], $0xF7A  }
0x26: {  	[smem:$0x3F99] =	sst s1;
	(tag) =	ssettag s2;
	_ =	strace s9  }
0x27: {  	s1 =	sld [smem:$0x3FA9]  }
0x28: {  	s2 =	sld [smem:$0x3FAA]  }
0x29: {  	s4 =	sld [smem:$0x3FAC]  }
0x2a: {  	p0 =	seq.s32 s5, $0x0;
	s5 =	sld [smem:$0x3FAD]  }
0x2b: {  	s6 =	sld [smem:$0x3FAE]  }
0x2c: {  	s7 =	sld [smem:$0x3FAF]  }
0x2d: {  	s3 =	simm.s32 $0x108;
	s8 =	sld [smem:$0x3FB0]  }
0x2e: {  	s3 =	simm.s32 @!p0 $0x1082;
	s9 =	sld [smem:$0x3FB1]  }
0x2f: {  	lr =	sadd.s32 s0, s3;
	s0 =	sld [smem:$0x3FA8]  }
0x30: {  	s3 =	sld [smem:$0x3FAB]  }
0x31: {  	[smem:$0x3FB4] =	sst s10  }
0x32: {  	s10 =	sld [smem:$0x3FB2];
	_ =	sdelay $0x3  }
0x33: {  	p0 =	seq.s32 s10, $0x1;
	s10 =	sld [smem:$0x3FB4];
	_ =	sdelay $0x3  }
0x34: {  	[smem:$0x3FB4] =	sst s10  }
0x35: {  	s10 =	sld [smem:$0x3FB3];
	_ =	sdelay $0x3  }
0x36: {  	p1 =	seq.s32 s10, $0x1;
	s10 =	sld [smem:$0x3FB4];
	_ =	sdelay $0x3  }
0x37: {  	[smem:$0x3FB4] =	sst s10  }
0x38: {  	s10 =	sld [smem:$0x3FB5]  }
0x39: {  	_ = 	snop;
	(pc) =	sbr.ind lr, $3  }
0x3a: {  	_ = 	snop  }
0x3b: {  	_ = 	snop  }
0x3c: {  	p2 =	seq.s32 s10, $0x1;
	s10 =	sld [smem:$0x3FB4]  }
0x3d: {  	_ =	shalt  }
0x3e: {  	_ =	shalt  }
0x3f: {  	_ =	shalt  }
0x40: {  	_ =	shalt  }
0x41: {  	_ =	shalt  }
0x42: {  	_ =	shalt  }
0x43: {  	_ =	shalt  }
0x44: {  	_ =	shalt  }
0x45: {  	_ =	shalt  }
0x46: {  	_ =	shalt  }
0x47: {  	_ =	shalt  }
0x48: {  	_ =	shalt  }
0x49: {  	_ =	shalt  }
0x4a: {  	_ =	shalt  }
0x4b: {  	_ =	shalt  }
0x4c: {  	_ =	shalt  }
0x4d: {  	_ =	shalt  }
0x4e: {  	_ =	shalt  }
0x4f: {  	_ =	shalt  }
0x50: {  	_ =	shalt  }
0x51: {  	_ =	shalt  }
0x52: {  	_ =	shalt  }
0x53: {  	_ =	shalt  }
0x54: {  	_ =	shalt  }
0x55: {  	_ =	shalt  }
0x56: {  	_ =	shalt  }
0x57: {  	_ =	shalt  }
0x58: {  	_ =	shalt  }
0x59: {  	_ =	shalt  }
0x5a: {  	_ =	shalt  }
0x5b: {  	_ =	shalt  }
0x5c: {  	_ =	shalt  }
0x5d: {  	_ =	shalt  }
0x5e: {  	_ =	shalt  }
0x5f: {  	_ =	shalt  }
0x60: {  	_ =	shalt  }
0x61: {  	_ =	shalt  }
0x62: {  	_ =	shalt  }
0x63: {  	_ =	shalt  }
0x64: {  	_ =	shalt  }
0x65: {  	_ =	shalt  }
0x66: {  	_ =	shalt  }
0x67: {  	_ =	shalt  }
0x68: {  	_ =	shalt  }
0x69: {  	_ =	shalt  }
0x6a: {  	_ =	shalt  }
0x6b: {  	_ =	shalt  }
0x6c: {  	_ =	shalt  }
0x6d: {  	_ =	shalt  }
0x6e: {  	_ =	shalt  }
0x6f: {  	_ =	shalt  }
0x70: {  	_ =	shalt  }
0x71: {  	_ =	shalt  }
0x72: {  	_ =	shalt  }
0x73: {  	_ =	shalt  }
0x74: {  	_ =	shalt  }
0x75: {  	_ =	shalt  }
0x76: {  	_ =	shalt  }
0x77: {  	_ =	shalt  }
0x78: {  	_ =	shalt  }
0x79: {  	_ =	shalt  }
0x7a: {  	_ =	shalt  }
0x7b: {  	_ =	shalt  }
0x7c: {  	_ =	shalt  }
0x7d: {  	_ =	shalt  }
0x7e: {  	_ =	shalt  }
0x7f: {  	_ =	shalt  }
0x80: {  	_ =	shalt  }
0x81: {  	_ =	shalt  }
0x82: {  	_ =	shalt  }
0x83: {  	_ =	shalt  }
0x84: {  	_ =	shalt  }
0x85: {  	_ =	shalt  }
0x86: {  	_ =	shalt  }
0x87: {  	_ =	shalt  }
.Lfunc_end0:
.L_simem_size_0:
called_computation.1_lowered:
.L_overlay_start_0:
0x88: {  	s2 =	sld [smem:$0x3FD9]  }
0x89: {  	s3 =	sld [smem:$0x3FFE];
	_ =	sdelay $0x1  }
0x8a: {  	s1 =	srdreg.scid  }
0x8b: {  	s0 =	sand.u32 $0x1, s1  }
0x8c: {  	s16 =	sshll.u32 s0, $0xA;
	s2 =	sadd.s32 s3, s2  }
0x8d: {  	s2 =	sadd.s32 s2, s16  }
0x8e: {  	[smem:$0x3FC0] =	sst s2  }
0x8f: {  	_ = 	snop  }
0x90: {  	(tm) =	ssettm $0x1  }
0x91: {  	s17 =	sld [smem:$0x3FFB];
	_ =	sdelay $0x3  }
0x92: {  	_ =	strace s17  }
0x93: {  	s2 =	sld [smem:$0x3FFC];
	_ =	sdelay $0x3  }
0x94: {  	_ =	strace s2  }
0x95: {  	s2 =	sld [smem:$0x3FFD];
	_ =	sdelay $0x3  }
0x96: {  	_ =	strace s2  }
0x97: {  	_ =	strace $0x8FFFFFFF  }
0x98: {  	s18 =	sld [smem:$0x3FDB];
	_ =	sdelay $0x1  }
0x99: {  	s19 =	simm.s32 $_scs_section_size  }
0x9a: {  	s4 =	simm.s32 $_size__tile_overlayer_lowered;
	s5 =	simm.s32 $_tile_overlayer_lowered  }
0x9b: {  	s22 =	simm.s32 $0x1BFF;
	s21 =	sshll.u32 s5, $0x1;
	s2 =	sadd.s32 s19, s18  }
0x9c: {  	s6 =	simm.s32 $0x0;
	s20 =	sshll.u32 s4, $0x1;
	s4 =	sadd.s32 s21, s2  }
0x9d: {  	[timem:s6], [sflag:s22] =	dma.local [hbm:s4], s20  }
0x9e: {  	_ =	swait.ge [sflag:s22], s20  }
0x9f: {  	s3 =	ssub.s32 $0x0, s20;
	[sflag:s22] =	ssyncset.done $0x0  }
0xa0: {  	[sflag:s22] =	ssyncadd.s32 s3;
	_ =	sdelay $0x1  }
0xa1: {  	s23 =	simm.s32 $0x1B8B  }
0xa2: {  	_ =	swait.ge [sflag:s23], $0x1  }
0xa3: {  	[sflag:s23] =	ssyncset.done $0x0  }
0xa4: {  	s25 =	simm.s32 $0x1B8E;
	s24 =	sld [smem:$0x3FFE];
	[sflag:s23] =	ssyncadd.s32 $0xFFFFFFFF  }
0xa5: {  	s26 =	simm.s32 $execute0_lowered;
	[smem:$0x3FD2] =	sst s25  }
0xa6: {  	s4 =	sshll.u32 s26, $0x1;
	_ =	strace $0x80000049;
	[dreg:$0x1] =	wrdreg $0xFFFFFFFF  }
0xa7: {  	s28 =	simm.s32 $_size_execute0_lowered;
	s2 =	sadd.s32 s2, s4;
	[dreg:$0x0] =	wrdreg $0x0  }
0xa8: {  	s4 =	sshll.u32 s28, $0x1;
	[dreg:$0x2] =	wrdreg s2  }
0xa9: {  	[dreg:$0x3] =	wrdreg s4  }
0xaa: {  	[dreg:$0x4] =	wrdreg $0xC0  }
0xab: {  	_ =	task [dreg:s6], $0x5FFFF  }
0xac: {  	[dreg:$0x1] =	wrdreg $0xFFFFFFFF  }
0xad: {  	[dreg:$0x0] =	wrdreg $0x60  }
0xae: {  	[dreg:$0x2] =	wrdreg s24  }
0xaf: {  	[dreg:$0x3] =	wrdreg $0x0  }
0xb0: {  	[dreg:$0x4] =	wrdreg $0x9  }
0xb1: {  	_ =	task.clear_ibuf [dreg:s6], $0x5FFFF;
	_ =	strace $0x90000049  }
0xb2: {  	s29 =	simm.s32 $0x9;
	_ =	strace $0x8000004B  }
0xb3: {  	_ =	swait.ge [sflag:s29], $0x1  }
0xb4: {  	[sflag:s29] =	ssyncadd.s32 $0xFFFFFFFF  }
0xb5: {  	_ =	strace $0x9000004B  }
0xb6: {  	_ =	sfence  }
0xb7: {  	s30 =	sld [smem:$0x0];
	_ =	sdelay $0x2  }
0xb8: {  	s31 =	sshll.u32 s1, $0xD;
	s1 =	sshrl.u32 s1, $0x2  }
0xb9: {  	s3 =	sand.u32 $0x4000, s31;
	s1 =	sadd.s32 s1, s30  }
0xba: {  	s0 =	sor.u32 s3, s0;
	s1 =	sshll.u32 s1, $0x11  }
0xbb: {  	s0 =	sor.u32 s1, s0  }
0xbc: {  	s0 =	sadd.s32 $0x8F2B, s0  }
0xbd: {  	[sflag:s0] =	ssyncadd.remote.s32 $0x1  }
0xbe: {  	_ =	sfence.sel $0xFFFF  }
0xbf: {  	[dreg:$0x0] =	wrdreg $0xFFFFFFFF;
	(pc) =	sbr.abs _section_cstart, $3  }
0xc0: {  	[dreg:$0x1] =	wrdreg $0xFFFFFFFF  }
0xc1: {  	_ =	task.clear_ibuf [dreg:s6], $0x2FFFF;
	_ =	strace $0x9FFFFFFF  }
0xc2: {  	(tm) =	ssettm $0x7FFFFFFF  }
0xc3: {  	_ =	shalt  }
tec
execute0_lowered:
.L_overlay_start_1:
0x0: {  	(tag) =	ssettag $0x1  }
0x1: {  	s0 =	rddreg [dreg:$0x0]  }
0x2: {  	s1 =	rddreg [dreg:$0x1]  }
0x3: {  	s3 =	simm.s32 $0x0;
	s2 =	srdreg.scid;
	s10 =	stileid.u32  }
0x4: {  	s16 =	simm.s32 $0x14000;
	s17 =	simm.s32 $0x15400;
	s18 =	simm.s32 $0x16800  }
0x5: {  	s19 =	simm.s32 $0x4;
	s20 =	simm.s32 $0x1;
	s21 =	simm.s32 $0x80  }
0x6: {  	s28 =	simm.s32 $0x15480;
	s29 =	simm.s32 $0x5;
	s30 =	simm.s32 $0x6  }
0x7: {  	s31 =	simm.s32 $0x0;
	[smem:$0x7FF] =	sst s3;
	s2 =	sand.u32 $0x1, s2  }
0x8: {  	s5 =	smul.u32 $0x14000, s10;
	s4 =	sadd.s32 $0x20800, s0;
	s12 =	sadd.s32 $0x16800, s0  }
0x9: {  	s13 =	sadd.s32 $0xC800, s0;
	s6 =	smul.u32 $0x140000, s2;
	s7 =	sshll.u32 s2, $0x4  }
0xa: {  	s2 =	ssub.s32 $0x2, s2;
	s7 =	sor.u32 s10, s7;
	s10 =	smul.u32 $0x50000, s10  }
0xb: {  	_ =	strace $0x8000004A;
	s9 =	sshrl.u32 s2, $0x1;
	s8 =	smul.u32 $0x500, s7  }
0xc: {  	s6 =	sadd.s32 s5, s6;
	s2 =	ssub.s32 s2, s9;
	s22 =	smul.u32 $0x2800, s7  }
0xd: {  	s7 =	sadd.s32 s5, s1;
	s6 =	sshrl.u32 s6, $0x3;
	s24 =	sshrl.u32 s10, $0x2  }
0xe: {  	s15 =	smax.u32 s2, $0x1;
	s0 =	sadd.s32 s6, s0;
	s23 =	sadd.s32 s12, s8  }
0xf: {  	s6 =	sadd.s32 s13, s8;
	s25 =	sadd.s32 s24, s1;
	s26 =	sshrl.u32 s22, $0x3  }
.Ltmp0:
0x10: {  	s22 =	simm.s32 $0x2;
	s24 =	simm.s32 $0x1A800;
	(pc) =	sbr.rel .LBB2_1-.Ltmp0, $4  }
0x11: {  	[dreg:$0x3] =	wrdreg s23;
	s8 =	sadd.s32 $0x4000, s25;
	s9 =	sadd.s32 $0x8000, s25  }
0x12: {  	s14 =	sadd.s32 $0x280, s26;
	s10 =	sadd.s32 $0xC000, s25;
	s11 =	sadd.s32 $0x10000, s25  }
0x13: {  	s23 =	simm.s32 $0x14080;
	s25 =	simm.s32 $0x3;
	s26 =	simm.s32 $0x14100  }
0x14: {  	v0 =	vimm.f32 $0.0e+00;
	s12 =	sadd.s32 s12, s14;
	s13 =	sadd.s32 s13, s14;
	s14 =	sadd.s32 $0x48800, s0  }
.LBB2_9:
0x15: {  	[spmem:s1] =	stream.indirect.scatter.add.f32 [tilespmem:s24], [sflag:$0x5], $0x80, s5, s21, $0xb8;
	[tilespmem:$0x1E800] =	vst v63  }
0x16: {  	s0 =	stileid.u32;
	_ =	swait.ge [sflag:s29], $0x4000  }
0x17: {  	s2 =	sshrl.u32 s7, $0x3;
	s31 =	sadd.s32 $0x1, s31;
	[sflag:s29] =	ssyncset.done $0x0  }
0x18: {  	s0 =	sshll.u32 s0, $0x6;
	p0 =	sne.s32 s31, s15;
	[sflag:s29] =	ssyncadd.s32 $0xFFFFC000  }
.Ltmp1:
0x19: {  	s0 =	sor.u32 $0x1C06, s0;
	[bflag:$0x0] =	sbarrier.arrive $0xFFFF;
	(pc) =	sbr.rel @!p0 .LBB2_10-.Ltmp1, $4  }
0x1a: {  	[hbm:s14], [sflag:s0] =	dma.local [spmem:s2], $0x2800  }
0x1b: {  	_ =	swait.ge [sflag:s30], $0x2800  }
0x1c: {  	[sflag:s30] =	ssyncset.done $0x0  }
0x1d: {  	[sflag:s30] =	ssyncadd.s32 $0xFFFFD800  }
.LBB2_1:
0x1e: {  	s0 =	rddreg [dreg:$0x3];
	s2 =	sand.u32 $0xFFC0, s3  }
0x1f: {  	[tilespmem:s16], [sflag:$0x1] =	stream.linear.gather [hbm4b:s0+s3], $0x1400, $0x38;
	[tilespmem:$0x1E800] =	vst v63  }
0x20: {  	s0 =	simm.s32 $0x40;
	s2 =	sshrl.u32 s2, $0x2  }
0x21: {  	[tilespmem:s17], [sflag:$0x1] =	stream.linear.gather [hbm4b:s6+s3], $0x1400, $0x38;
	[tilespmem:$0x1E800] =	vst v63  }
.LBB2_2:
0x22: {  	p0 =	sne.s32 s0, $0xFFC0;
	[tilespmem:s2+$0x16800] =	vst v0;
	s2 =	smov.u32 s0;
	s0 =	sadd.s32 $0x40, s0  }
.Ltmp2:
0x23: {  	(pc) =	sbr.rel @p0 .LBB2_2-.Ltmp2, $3  }
0x24: {  	_ =	sdelay $0x1  }
0x25: {  	s2 =	sand.u32 $0xFFC0, s2  }
0x26: {  	s2 =	sshrl.u32 s2, $0x2  }
0x27: {  	[tilespmem:s2+$0x16800] =	vst v0  }
0x28: {  	[spmem:s7] =	stream.linear.scatter [tilespmem:s18], [sflag:$0x4], $0x4000, $0x38;
	[tilespmem:$0x1E800] =	vst v63  }
0x29: {  	_ = 	snop  }
0x2a: {  	[spmem:s8] =	stream.linear.scatter [tilespmem:s18], [sflag:$0x4], $0x4000, $0x38;
	[tilespmem:$0x1E800] =	vst v63  }
0x2b: {  	_ = 	snop  }
0x2c: {  	[spmem:s9] =	stream.linear.scatter [tilespmem:s18], [sflag:$0x4], $0x4000, $0x38;
	[tilespmem:$0x1E800] =	vst v63  }
0x2d: {  	_ = 	snop  }
0x2e: {  	[spmem:s10] =	stream.linear.scatter [tilespmem:s18], [sflag:$0x4], $0x4000, $0x38;
	[tilespmem:$0x1E800] =	vst v63  }
0x2f: {  	_ = 	snop  }
0x30: {  	[spmem:s11] =	stream.linear.scatter [tilespmem:s18], [sflag:$0x4], $0x4000, $0x38;
	[tilespmem:$0x1E800] =	vst v63  }
0x31: {  	_ =	swait.ge [sflag:s19], $0x4000  }
0x32: {  	[sflag:s19] =	ssyncset.done $0x0  }
0x33: {  	[sflag:s19] =	ssyncadd.s32 $0xFFFFC000  }
0x34: {  	_ =	swait.ge [sflag:s19], $0x4000  }
0x35: {  	[sflag:s19] =	ssyncset.done $0x0  }
0x36: {  	[sflag:s19] =	ssyncadd.s32 $0xFFFFC000  }
0x37: {  	_ =	swait.ge [sflag:s19], $0x4000  }
0x38: {  	[sflag:s19] =	ssyncset.done $0x0  }
0x39: {  	[sflag:s19] =	ssyncadd.s32 $0xFFFFC000  }
0x3a: {  	_ =	swait.ge [sflag:s19], $0x4000  }
0x3b: {  	[sflag:s19] =	ssyncset.done $0x0  }
0x3c: {  	[sflag:s19] =	ssyncadd.s32 $0xFFFFC000  }
0x3d: {  	_ =	swait.ge [sflag:s19], $0x4000  }
0x3e: {  	[sflag:s19] =	ssyncset.done $0x0  }
0x3f: {  	[sflag:s19] =	ssyncadd.s32 $0xFFFFC000  }
0x40: {  	[bflag:$0x0] =	sbarrier.arrive $0xFFFF  }
0x41: {  	_ =	swait.ge [sflag:s20], $0x1400  }
0x42: {  	[sflag:s20] =	ssyncset.done $0x0  }
0x43: {  	[sflag:s20] =	ssyncadd.s32 $0xFFFFEC00  }
0x44: {  	_ =	swait.ge [sflag:s20], $0x1400  }
0x45: {  	[sflag:s20] =	ssyncset.done $0x0  }
0x46: {  	[sflag:s20] =	ssyncadd.s32 $0xFFFFEC00  }
0x47: {  	[tilespmem:s18], [sflag:$0x2] =	stream.indirect.gather [hbm4b:s4+s21], $0x80, s16, s21, $0xb8;
	[tilespmem:$0x1E800] =	vst v63  }
0x48: {  	_ =	swait.ge [sflag:s22], $0x4000  }
0x49: {  	[sflag:s22] =	ssyncset.done $0x0  }
0x4a: {  	[sflag:s22] =	ssyncadd.s32 $0xFFFFC000  }
0x4b: {  	[tilespmem:s24], [sflag:$0x3] =	stream.indirect.gather [hbm4b:s4+s21], $0x80, s23, s21, $0xb8;
	[tilespmem:$0x1E800] =	vst v63  }
0x4c: {  	_ = 	snop  }
0x4d: {  	[spmem:s1] =	stream.indirect.scatter.add.f32 [tilespmem:s18], [sflag:$0x4], $0x80, s17, s21, $0xb8;
	[tilespmem:$0x1E800] =	vst v63  }
0x4e: {  	_ =	swait.ge [sflag:s25], $0x4000  }
0x4f: {  	[sflag:s25] =	ssyncset.done $0x0  }
0x50: {  	[sflag:s25] =	ssyncadd.s32 $0xFFFFC000  }
0x51: {  	_ =	swait.ge [sflag:s19], $0x4000  }
0x52: {  	[sflag:s19] =	ssyncset.done $0x0  }
0x53: {  	[sflag:s19] =	ssyncadd.s32 $0xFFFFC000  }
0x54: {  	[tilespmem:s18], [sflag:$0x2] =	stream.indirect.gather [hbm4b:s4+s21], $0x80, s26, s21, $0xb8;
	[tilespmem:$0x1E800] =	vst v63  }
0x55: {  	s0 =	simm.s32 $0xFFFFB800  }
0x56: {  	[spmem:s1] =	stream.indirect.scatter.add.f32 [tilespmem:s24], [sflag:$0x5], $0x80, s28, s21, $0xb8;
	[tilespmem:$0x1E800] =	vst v63  }
.LBB2_4:
0x57: {  	_ =	swait.ge [sflag:s22], $0x4000  }
0x58: {  	[sflag:s22] =	ssyncset.done $0x0  }
0x59: {  	[sflag:s22] =	ssyncadd.s32 $0xFFFFC000  }
0x5a: {  	_ =	swait.ge [sflag:s29], $0x4000  }
0x5b: {  	s2 =	sshra.s32 s0, $0x2;
	[sflag:s29] =	ssyncset.done $0x0  }
0x5c: {  	s5 =	sadd.s32 $0x15380, s2;
	[sflag:s29] =	ssyncadd.s32 $0xFFFFC000  }
0x5d: {  	[tilespmem:s24], [sflag:$0x3] =	stream.indirect.gather [hbm4b:s4+s21], $0x80, s5, s21, $0xb8;
	[tilespmem:$0x1E800] =	vst v63  }
0x5e: {  	s5 =	sadd.s32 $0x16700, s2  }
0x5f: {  	[spmem:s1] =	stream.indirect.scatter.add.f32 [tilespmem:s18], [sflag:$0x4], $0x80, s5, s21, $0xb8;
	[tilespmem:$0x1E800] =	vst v63  }
0x60: {  	p0 =	seq.s32 s0, $0x0;
	_ =	swait.ge [sflag:s25], $0x4000  }
.Ltmp3:
0x61: {  	[sflag:s25] =	ssyncset.done $0x0;
	(pc) =	sbr.rel @p0 .LBB2_6-.Ltmp3, $4  }
0x62: {  	[sflag:s25] =	ssyncadd.s32 $0xFFFFC000  }
0x63: {  	_ =	swait.ge [sflag:s19], $0x4000  }
0x64: {  	[sflag:s19] =	ssyncset.done $0x0  }
0x65: {  	s5 =	sadd.s32 $0x16780, s2;
	[sflag:s19] =	ssyncadd.s32 $0xFFFFC000  }
.Ltmp4:
0x66: {  	(pc) =	sbr.rel .LBB2_4-.Ltmp4, $4  }
0x67: {  	s2 =	sadd.s32 $0x15400, s2  }
0x68: {  	[tilespmem:s18], [sflag:$0x2] =	stream.indirect.gather [hbm4b:s4+s21], $0x80, s2, s21, $0xb8;
	[tilespmem:$0x1E800] =	vst v63  }
0x69: {  	s0 =	sadd.s32 $0x400, s0  }
0x6a: {  	[spmem:s1] =	stream.indirect.scatter.add.f32 [tilespmem:s24], [sflag:$0x5], $0x80, s5, s21, $0xb8;
	[tilespmem:$0x1E800] =	vst v63  }
.LBB2_6:
0x6b: {  	[spmem:s1] =	stream.indirect.scatter.add.f32 [tilespmem:s24], [sflag:$0x5], $0x80, s5, s21, $0xb8;
	[tilespmem:$0x1E800] =	vst v63  }
0x6c: {  	_ =	swait.ge [sflag:s29], $0x4000  }
0x6d: {  	[sflag:s29] =	ssyncset.done $0x0  }
0x6e: {  	[sflag:s29] =	ssyncadd.s32 $0xFFFFC000  }
0x6f: {  	[tilespmem:s16], [sflag:$0x1] =	stream.linear.gather [hbm4b:s12+s3], $0x1400, $0x38;
	[tilespmem:$0x1E800] =	vst v63  }
0x70: {  	_ = 	snop  }
0x71: {  	[tilespmem:s17], [sflag:$0x1] =	stream.linear.gather [hbm4b:s13+s3], $0x1400, $0x38;
	[tilespmem:$0x1E800] =	vst v63  }
0x72: {  	_ =	swait.ge [sflag:s20], $0x1400  }
0x73: {  	[sflag:s20] =	ssyncset.done $0x0  }
0x74: {  	[sflag:s20] =	ssyncadd.s32 $0xFFFFEC00  }
0x75: {  	_ =	swait.ge [sflag:s20], $0x1400  }
0x76: {  	[sflag:s20] =	ssyncset.done $0x0  }
0x77: {  	[sflag:s20] =	ssyncadd.s32 $0xFFFFEC00  }
0x78: {  	[tilespmem:s18], [sflag:$0x2] =	stream.indirect.gather [hbm4b:s4+s21], $0x80, s16, s21, $0xb8;
	[tilespmem:$0x1E800] =	vst v63  }
0x79: {  	_ =	swait.ge [sflag:s22], $0x4000  }
0x7a: {  	[sflag:s22] =	ssyncset.done $0x0  }
0x7b: {  	[sflag:s22] =	ssyncadd.s32 $0xFFFFC000  }
0x7c: {  	[tilespmem:s24], [sflag:$0x3] =	stream.indirect.gather [hbm4b:s4+s21], $0x80, s23, s21, $0xb8;
	[tilespmem:$0x1E800] =	vst v63  }
0x7d: {  	_ = 	snop  }
0x7e: {  	[spmem:s1] =	stream.indirect.scatter.add.f32 [tilespmem:s18], [sflag:$0x4], $0x80, s17, s21, $0xb8;
	[tilespmem:$0x1E800] =	vst v63  }
0x7f: {  	_ =	swait.ge [sflag:s25], $0x4000  }
0x80: {  	[sflag:s25] =	ssyncset.done $0x0  }
0x81: {  	[sflag:s25] =	ssyncadd.s32 $0xFFFFC000  }
0x82: {  	_ =	swait.ge [sflag:s19], $0x4000  }
0x83: {  	[sflag:s19] =	ssyncset.done $0x0  }
0x84: {  	[sflag:s19] =	ssyncadd.s32 $0xFFFFC000  }
0x85: {  	[tilespmem:s18], [sflag:$0x2] =	stream.indirect.gather [hbm4b:s4+s21], $0x80, s26, s21, $0xb8;
	[tilespmem:$0x1E800] =	vst v63  }
0x86: {  	s0 =	simm.s32 $0xFFFFB800  }
0x87: {  	[spmem:s1] =	stream.indirect.scatter.add.f32 [tilespmem:s24], [sflag:$0x5], $0x80, s28, s21, $0xb8;
	[tilespmem:$0x1E800] =	vst v63  }
.LBB2_7:
0x88: {  	_ =	swait.ge [sflag:s22], $0x4000  }
0x89: {  	[sflag:s22] =	ssyncset.done $0x0  }
0x8a: {  	[sflag:s22] =	ssyncadd.s32 $0xFFFFC000  }
0x8b: {  	_ =	swait.ge [sflag:s29], $0x4000  }
0x8c: {  	s2 =	sshra.s32 s0, $0x2;
	[sflag:s29] =	ssyncset.done $0x0  }
0x8d: {  	s5 =	sadd.s32 $0x15380, s2;
	[sflag:s29] =	ssyncadd.s32 $0xFFFFC000  }
0x8e: {  	[tilespmem:s24], [sflag:$0x3] =	stream.indirect.gather [hbm4b:s4+s21], $0x80, s5, s21, $0xb8;
	[tilespmem:$0x1E800] =	vst v63  }
0x8f: {  	s5 =	sadd.s32 $0x16700, s2  }
0x90: {  	[spmem:s1] =	stream.indirect.scatter.add.f32 [tilespmem:s18], [sflag:$0x4], $0x80, s5, s21, $0xb8;
	[tilespmem:$0x1E800] =	vst v63  }
0x91: {  	p0 =	seq.s32 s0, $0x0;
	_ =	swait.ge [sflag:s25], $0x4000  }
.Ltmp5:
0x92: {  	[sflag:s25] =	ssyncset.done $0x0;
	(pc) =	sbr.rel @p0 .LBB2_9-.Ltmp5, $4  }
0x93: {  	[sflag:s25] =	ssyncadd.s32 $0xFFFFC000  }
0x94: {  	_ =	swait.ge [sflag:s19], $0x4000  }
0x95: {  	[sflag:s19] =	ssyncset.done $0x0  }
0x96: {  	s5 =	sadd.s32 $0x16780, s2;
	[sflag:s19] =	ssyncadd.s32 $0xFFFFC000  }
.Ltmp6:
0x97: {  	(pc) =	sbr.rel .LBB2_7-.Ltmp6, $4  }
0x98: {  	s2 =	sadd.s32 $0x15400, s2  }
0x99: {  	[tilespmem:s18], [sflag:$0x2] =	stream.indirect.gather [hbm4b:s4+s21], $0x80, s2, s21, $0xb8;
	[tilespmem:$0x1E800] =	vst v63  }
0x9a: {  	s0 =	sadd.s32 $0x400, s0  }
0x9b: {  	[spmem:s1] =	stream.indirect.scatter.add.f32 [tilespmem:s24], [sflag:$0x5], $0x80, s5, s21, $0xb8;
	[tilespmem:$0x1E800] =	vst v63  }
.LBB2_10:
0x9c: {  	_ =	sfence.sel $0x180000  }
0x9d: {  	[bflag:$0x0] =	sbarrier.arrive $0xFFFF  }
0x9e: {  	_ =	strace $0x9000004A  }
0x9f: {  	s0 =	stileid.u32;
	[bflag:$0x2] =	sbarrier.arrive $0xFFFF  }
0xa0: {  	p0 =	sne.s32 s0, $0x0;
	s0 =	rddreg [dreg:$0x2]  }
0xa1: {  	s0 =	sadd.s32 @!p0 $0x100000, s0  }
0xa2: {  	[sflag:s0] =	ssyncadd.tile.s32 @!p0 $0x1;
	_ =	shalt  }
.Lfunc_end2:
_tile_overlayer_lowered:
.L_overlay_start_2:
0xa3: {  	(tag) =	ssettag $0x2  }
0xa4: {  	s0 =	rddreg [dreg:$0x0];
	s2 =	stileid.u32  }
0xa5: {  	s1 =	rddreg [dreg:$0x1];
	p0 =	sne.s32 s2, $0x0  }
0xa6: {  	s3 =	rddreg [dreg:$0x2];
	[bflag:$0x3] =	sbarrier.arrive $0xFFFF;
	s2 =	simm.s32 @!p0 $0x1C06  }
0xa7: {  	[timem:s3], [sflag:s2] =	dma.local @!p0 [hbm:s0], s1  }
0xa8: {  	s0 =	simm.s32 @!p0 $0x6  }
0xa9: {  	_ =	swait.ge @!p0 [sflag:s0], s1  }
0xaa: {  	s1 =	ssub.s32 @!p0 $0x0, s1;
	[sflag:s0] =	ssyncset.done @!p0 $0x0  }
0xab: {  	[sflag:s0] =	ssyncadd.s32 @!p0 s1  }
0xac: {  	[bflag:$0x3] =	sbarrier.arrive $0xFFFF  }
0xad: {  	_ =	shalt  }

// kernel: kernel.14.cloned.1.call-start
scs
__scs_entry_jumppad:
0x0: {  	(pc) =	sbr.rel $0x88, $3  }
0x1: {  	(tag) =	ssettag $0x0;
	lr =	simm.s32 $0x1  }
0x2: {  	[smem:$0x3F99] =	sst lr;
	_ =	strace $0xD0000000  }
0x3: {  	_ = 	snop  }
0x4: {  	_ = 	snop  }
0x5: {  	_ = 	snop  }
0x6: {  	_ = 	snop  }
0x7: {  	_ = 	snop  }
__scs_overlays_trampoline_lowered:
0x8: {  	[smem:$0x3FA8] =	sst s0  }
0x9: {  	[smem:$0x3FA9] =	sst s1  }
0xa: {  	[smem:$0x3FAA] =	sst s2  }
0xb: {  	[smem:$0x3FAB] =	sst s3  }
0xc: {  	[smem:$0x3FAC] =	sst s4  }
0xd: {  	[smem:$0x3FAD] =	sst s5  }
0xe: {  	[smem:$0x3FAE] =	sst s6  }
0xf: {  	[smem:$0x3FAF] =	sst s7  }
0x10: {  	[smem:$0x3FB0] =	sst s8  }
0x11: {  	[smem:$0x3FB1] =	sst s9;
	s0 =	simm.s32 @!p0 $0x0  }
0x12: {  	s1 =	sld [smem:$0x3F97];
	s0 =	simm.s32 @p0 $0x1  }
0x13: {  	[smem:$0x3FB2] =	sst s0;
	s0 =	simm.s32 @!p1 $0x0  }
0x14: {  	s2 =	sld [smem:$0x3F96];
	s0 =	simm.s32 @p1 $0x1  }
0x15: {  	[smem:$0x3FB3] =	sst s0;
	s0 =	simm.s32 @!p2 $0x0  }
0x16: {  	s3 =	sld [smem:$0x3FDB];
	s0 =	simm.s32 @p2 $0x1  }
0x17: {  	s4 =	simm.s32 $0x1BF5;
	[smem:$0x3FB5] =	sst s0  }
0x18: {  	s0 =	sld [smem:$0x3F98];
	_ =	swait.ge [sflag:s4], $0x0  }
0x19: {  	s7 =	sld [smem:$0x3F99]  }
0x1a: {  	s8 =	sadd.s32 $0xFFFFE003, lr  }
0x1b: {  	s9 =	sadd.s32 $0xFFFFFEF7, lr;
	s5 =	simm.s32 $0xFFFFFFFF;
	p2 =	slt.u32 s8, $0xFFFFF086  }
0x1c: {  	p1 =	slt.u32 s9, $0xF7A;
	s5 =	simm.s32 @!p2 $0x0  }
0x1d: {  	s5 =	simm.s32 @p1 $0x1;
	p0 =	seq.s32 s7, s2  }
0x1e: {  	s7 =	smul.u32 @!p0 $0xF7A, s2;
	p2 =	seq.s32 @!p0 s5, $0x0  }
0x1f: {  	s9 =	smul.u32 $0xF7A, s1;
	s8 =	simm.s32 @!p0 $0x1BF5;
	p2 =	por !p2, p0  }
0x20: {  	[sflag:s8] =	ssyncset.s32 @!p0 $0xFFFFF086;
	s6 =	sadd.s32 @!p0 s3, s7;
	s7 =	simm.s32 @!p0 $0x108  }
0x21: {  	s3 =	sadd.s32 s3, s9;
	s6 =	sadd.s32 @!p0 $0x88, s6;
	s7 =	simm.s32 @p2 $0x1082  }
0x22: {  	[simem:s7], [sflag:s8] =	dma.local @!p0 [hbm:s6], $0xF7A  }
0x23: {  	s9 =	sor.u32 $0xD0000000, s2;
	s6 =	simm.s32 $0x108;
	_ =	swait.ge @!p0 [sflag:s8], $0x0  }
0x24: {  	s3 =	sadd.s32 $0x88, s3;
	s6 =	simm.s32 @!p1 $0x1082;
	[sflag:s4] =	ssyncset.s32 $0xFFFFF086  }
0x25: {  	[simem:s6], [sflag:s4] =	dma.local [hbm:s3], $0xF7A  }
0x26: {  	[smem:$0x3F99] =	sst s1;
	(tag) =	ssettag s2;
	_ =	strace s9  }
0x27: {  	s1 =	sld [smem:$0x3FA9]  }
0x28: {  	s2 =	sld [smem:$0x3FAA]  }
0x29: {  	s4 =	sld [smem:$0x3FAC]  }
0x2a: {  	p0 =	seq.s32 s5, $0x0;
	s5 =	sld [smem:$0x3FAD]  }
0x2b: {  	s6 =	sld [smem:$0x3FAE]  }
0x2c: {  	s7 =	sld [smem:$0x3FAF]  }
0x2d: {  	s3 =	simm.s32 $0x108;
	s8 =	sld [smem:$0x3FB0]  }
0x2e: {  	s3 =	simm.s32 @!p0 $0x1082;
	s9 =	sld [smem:$0x3FB1]  }
0x2f: {  	lr =	sadd.s32 s0, s3;
	s0 =	sld [smem:$0x3FA8]  }
0x30: {  	s3 =	sld [smem:$0x3FAB]  }
0x31: {  	[smem:$0x3FB4] =	sst s10  }
0x32: {  	s10 =	sld [smem:$0x3FB2];
	_ =	sdelay $0x3  }
0x33: {  	p0 =	seq.s32 s10, $0x1;
	s10 =	sld [smem:$0x3FB4];
	_ =	sdelay $0x3  }
0x34: {  	[smem:$0x3FB4] =	sst s10  }
0x35: {  	s10 =	sld [smem:$0x3FB3];
	_ =	sdelay $0x3  }
0x36: {  	p1 =	seq.s32 s10, $0x1;
	s10 =	sld [smem:$0x3FB4];
	_ =	sdelay $0x3  }
0x37: {  	[smem:$0x3FB4] =	sst s10  }
0x38: {  	s10 =	sld [smem:$0x3FB5]  }
0x39: {  	_ = 	snop;
	(pc) =	sbr.ind lr, $3  }
0x3a: {  	_ = 	snop  }
0x3b: {  	_ = 	snop  }
0x3c: {  	p2 =	seq.s32 s10, $0x1;
	s10 =	sld [smem:$0x3FB4]  }
0x3d: {  	_ =	shalt  }
0x3e: {  	_ =	shalt  }
0x3f: {  	_ =	shalt  }
0x40: {  	_ =	shalt  }
0x41: {  	_ =	shalt  }
0x42: {  	_ =	shalt  }
0x43: {  	_ =	shalt  }
0x44: {  	_ =	shalt  }
0x45: {  	_ =	shalt  }
0x46: {  	_ =	shalt  }
0x47: {  	_ =	shalt  }
0x48: {  	_ =	shalt  }
0x49: {  	_ =	shalt  }
0x4a: {  	_ =	shalt  }
0x4b: {  	_ =	shalt  }
0x4c: {  	_ =	shalt  }
0x4d: {  	_ =	shalt  }
0x4e: {  	_ =	shalt  }
0x4f: {  	_ =	shalt  }
0x50: {  	_ =	shalt  }
0x51: {  	_ =	shalt  }
0x52: {  	_ =	shalt  }
0x53: {  	_ =	shalt  }
0x54: {  	_ =	shalt  }
0x55: {  	_ =	shalt  }
0x56: {  	_ =	shalt  }
0x57: {  	_ =	shalt  }
0x58: {  	_ =	shalt  }
0x59: {  	_ =	shalt  }
0x5a: {  	_ =	shalt  }
0x5b: {  	_ =	shalt  }
0x5c: {  	_ =	shalt  }
0x5d: {  	_ =	shalt  }
0x5e: {  	_ =	shalt  }
0x5f: {  	_ =	shalt  }
0x60: {  	_ =	shalt  }
0x61: {  	_ =	shalt  }
0x62: {  	_ =	shalt  }
0x63: {  	_ =	shalt  }
0x64: {  	_ =	shalt  }
0x65: {  	_ =	shalt  }
0x66: {  	_ =	shalt  }
0x67: {  	_ =	shalt  }
0x68: {  	_ =	shalt  }
0x69: {  	_ =	shalt  }
0x6a: {  	_ =	shalt  }
0x6b: {  	_ =	shalt  }
0x6c: {  	_ =	shalt  }
0x6d: {  	_ =	shalt  }
0x6e: {  	_ =	shalt  }
0x6f: {  	_ =	shalt  }
0x70: {  	_ =	shalt  }
0x71: {  	_ =	shalt  }
0x72: {  	_ =	shalt  }
0x73: {  	_ =	shalt  }
0x74: {  	_ =	shalt  }
0x75: {  	_ =	shalt  }
0x76: {  	_ =	shalt  }
0x77: {  	_ =	shalt  }
0x78: {  	_ =	shalt  }
0x79: {  	_ =	shalt  }
0x7a: {  	_ =	shalt  }
0x7b: {  	_ =	shalt  }
0x7c: {  	_ =	shalt  }
0x7d: {  	_ =	shalt  }
0x7e: {  	_ =	shalt  }
0x7f: {  	_ =	shalt  }
0x80: {  	_ =	shalt  }
0x81: {  	_ =	shalt  }
0x82: {  	_ =	shalt  }
0x83: {  	_ =	shalt  }
0x84: {  	_ =	shalt  }
0x85: {  	_ =	shalt  }
0x86: {  	_ =	shalt  }
0x87: {  	_ =	shalt  }
.Lfunc_end0:
.L_simem_size_0:
called_computation.2_lowered:
.L_overlay_start_0:
0x88: {  	s2 =	sld [smem:$0x3FD9]  }
0x89: {  	s3 =	sld [smem:$0x3FFE];
	_ =	sdelay $0x1  }
0x8a: {  	s1 =	srdreg.scid  }
0x8b: {  	s0 =	sand.u32 $0x1, s1  }
0x8c: {  	s16 =	sshll.u32 s0, $0xA;
	s2 =	sadd.s32 s3, s2  }
0x8d: {  	s2 =	sadd.s32 s2, s16  }
0x8e: {  	[smem:$0x3FC0] =	sst s2  }
0x8f: {  	_ = 	snop  }
0x90: {  	(tm) =	ssettm $0x1  }
0x91: {  	s17 =	sld [smem:$0x3FFB];
	_ =	sdelay $0x3  }
0x92: {  	_ =	strace s17  }
0x93: {  	s2 =	sld [smem:$0x3FFC];
	_ =	sdelay $0x3  }
0x94: {  	_ =	strace s2  }
0x95: {  	s2 =	sld [smem:$0x3FFD];
	_ =	sdelay $0x3  }
0x96: {  	_ =	strace s2  }
0x97: {  	_ =	strace $0x8FFFFFFF  }
0x98: {  	s18 =	sld [smem:$0x3FDB];
	_ =	sdelay $0x1  }
0x99: {  	s19 =	simm.s32 $_scs_section_size  }
0x9a: {  	s4 =	simm.s32 $_size__tile_overlayer_lowered;
	s5 =	simm.s32 $_tile_overlayer_lowered  }
0x9b: {  	s22 =	simm.s32 $0x1BFF;
	s21 =	sshll.u32 s5, $0x1;
	s2 =	sadd.s32 s19, s18  }
0x9c: {  	s6 =	simm.s32 $0x0;
	s20 =	sshll.u32 s4, $0x1;
	s4 =	sadd.s32 s21, s2  }
0x9d: {  	[timem:s6], [sflag:s22] =	dma.local [hbm:s4], s20  }
0x9e: {  	_ =	swait.ge [sflag:s22], s20  }
0x9f: {  	s3 =	ssub.s32 $0x0, s20;
	[sflag:s22] =	ssyncset.done $0x0  }
0xa0: {  	[sflag:s22] =	ssyncadd.s32 s3;
	_ =	sdelay $0x1  }
0xa1: {  	s23 =	simm.s32 $0x1B8B  }
0xa2: {  	_ =	swait.ge [sflag:s23], $0x1  }
0xa3: {  	[sflag:s23] =	ssyncset.done $0x0  }
0xa4: {  	s25 =	simm.s32 $0x1B8E;
	s24 =	sld [smem:$0x3FFE];
	[sflag:s23] =	ssyncadd.s32 $0xFFFFFFFF  }
0xa5: {  	s26 =	simm.s32 $execute0_lowered;
	[smem:$0x3FD2] =	sst s25  }
0xa6: {  	s4 =	sshll.u32 s26, $0x1;
	_ =	strace $0x8000004C;
	[dreg:$0x1] =	wrdreg $0xFFFFFFFF  }
0xa7: {  	s28 =	simm.s32 $_size_execute0_lowered;
	s2 =	sadd.s32 s2, s4;
	[dreg:$0x0] =	wrdreg $0x0  }
0xa8: {  	s4 =	sshll.u32 s28, $0x1;
	[dreg:$0x2] =	wrdreg s2  }
0xa9: {  	[dreg:$0x3] =	wrdreg s4  }
0xaa: {  	[dreg:$0x4] =	wrdreg $0xC0  }
0xab: {  	_ =	task [dreg:s6], $0x5FFFF  }
0xac: {  	[dreg:$0x1] =	wrdreg $0xFFFFFFFF  }
0xad: {  	[dreg:$0x0] =	wrdreg $0x60  }
0xae: {  	[dreg:$0x2] =	wrdreg s24  }
0xaf: {  	[dreg:$0x3] =	wrdreg $0x0  }
0xb0: {  	[dreg:$0x4] =	wrdreg $0x9  }
0xb1: {  	_ =	task.clear_ibuf [dreg:s6], $0x5FFFF;
	_ =	strace $0x9000004C  }
0xb2: {  	s29 =	simm.s32 $0x9;
	_ =	strace $0x8000004E  }
0xb3: {  	_ =	swait.ge [sflag:s29], $0x1  }
0xb4: {  	[sflag:s29] =	ssyncadd.s32 $0xFFFFFFFF  }
0xb5: {  	_ =	strace $0x9000004E  }
0xb6: {  	_ =	sfence  }
0xb7: {  	s30 =	sld [smem:$0x0];
	_ =	sdelay $0x2  }
0xb8: {  	s31 =	sshll.u32 s1, $0xD;
	s1 =	sshrl.u32 s1, $0x2  }
0xb9: {  	s3 =	sand.u32 $0x4000, s31;
	s1 =	sadd.s32 s1, s30  }
0xba: {  	s0 =	sor.u32 s3, s0;
	s1 =	sshll.u32 s1, $0x11  }
0xbb: {  	s0 =	sor.u32 s1, s0  }
0xbc: {  	s0 =	sadd.s32 $0x8F2B, s0  }
0xbd: {  	[sflag:s0] =	ssyncadd.remote.s32 $0x1  }
0xbe: {  	_ =	sfence.sel $0xFFFF  }
0xbf: {  	[dreg:$0x0] =	wrdreg $0xFFFFFFFF;
	(pc) =	sbr.abs _section_cstart, $3  }
0xc0: {  	[dreg:$0x1] =	wrdreg $0xFFFFFFFF  }
0xc1: {  	_ =	task.clear_ibuf [dreg:s6], $0x2FFFF;
	_ =	strace $0x9FFFFFFF  }
0xc2: {  	(tm) =	ssettm $0x7FFFFFFF  }
0xc3: {  	_ =	shalt  }
tec
execute0_lowered:
.L_overlay_start_1:
0x0: {  	(tag) =	ssettag $0x1  }
0x1: {  	s0 =	rddreg [dreg:$0x0]  }
0x2: {  	s2 =	rddreg [dreg:$0x1]  }
0x3: {  	s4 =	srdreg.scid;
	s1 =	stileid.u32  }
0x4: {  	s3 =	simm.s32 $0x0;
	s14 =	simm.s32 $0xA000;
	s15 =	simm.s32 $0xC800  }
0x5: {  	s16 =	simm.s32 $0xF000;
	s17 =	simm.s32 $0x4;
	s18 =	simm.s32 $0x1  }
0x6: {  	s19 =	simm.s32 $0x80;
	s20 =	simm.s32 $0x2;
	s21 =	simm.s32 $0xA080  }
0x7: {  	s22 =	simm.s32 $0x11000;
	s23 =	simm.s32 $0x3;
	s24 =	simm.s32 $0xA100  }
0x8: {  	s25 =	simm.s32 $0xC880;
	s26 =	simm.s32 $0x5;
	s28 =	simm.s32 $0x6  }
0x9: {  	s29 =	simm.s32 $0x0;
	s5 =	sand.u32 $0x1, s4;
	s7 =	smul.u32 $0xA000, s1  }
0xa: {  	[smem:$0x7FF] =	sst s3;
	s9 =	smul.u32 $0x28000, s1;
	s4 =	sshll.u32 s5, $0x4  }
0xb: {  	s6 =	smul.u32 $0xA0000, s5;
	_ =	strace $0x8000004D;
	s5 =	ssub.s32 $0x2, s5  }
0xc: {  	s8 =	sor.u32 s1, s4;
	s4 =	sadd.s32 $0x20800, s0;
	s31 =	sshrl.u32 s5, $0x1  }
0xd: {  	s9 =	sshrl.u32 s9, $0x2;
	s8 =	smul.u32 $0x500, s8;
	s6 =	sadd.s32 s7, s6  }
.Ltmp0:
0xe: {  	s13 =	ssub.s32 s5, s31;
	s11 =	sadd.s32 s9, s2;
	(pc) =	sbr.rel .LBB2_1-.Ltmp0, $4  }
0xf: {  	s7 =	sadd.s32 s7, s2;
	s6 =	sshrl.u32 s6, $0x3;
	s9 =	sadd.s32 $0x4000, s11  }
0x10: {  	s10 =	sadd.s32 $0x6000, s11;
	s13 =	smax.u32 s13, $0x1;
	s8 =	sadd.s32 s8, s0  }
0x11: {  	s0 =	sadd.s32 s6, s0;
	s5 =	sadd.s32 $0x16800, s8;
	s6 =	sadd.s32 $0xC800, s8  }
0x12: {  	v0 =	vimm.f32 $0.0e+00;
	s8 =	sadd.s32 $0x2000, s11;
	s11 =	sadd.s32 $0x8000, s11;
	s12 =	sadd.s32 $0x34800, s0  }
.LBB2_6:
0x13: {  	[spmem:s2] =	stream.indirect.scatter.add.f32 [tilespmem:s22], [sflag:$0x5], $0x40, s0, s19, $0xb8;
	[tilespmem:$0x13000] =	vst v63  }
0x14: {  	_ =	swait.ge [sflag:s26], $0x2000  }
0x15: {  	s31 =	sshll.u32 s1, $0x6;
	s29 =	sadd.s32 $0x1, s29;
	[sflag:s26] =	ssyncset.done $0x0  }
0x16: {  	s30 =	sshrl.u32 s7, $0x3;
	p0 =	sne.s32 s29, s13;
	[sflag:s26] =	ssyncadd.s32 $0xFFFFE000  }
.Ltmp1:
0x17: {  	s0 =	sor.u32 $0x1C06, s31;
	[bflag:$0x0] =	sbarrier.arrive $0xFFFF;
	(pc) =	sbr.rel @!p0 .LBB2_7-.Ltmp1, $4  }
0x18: {  	[hbm:s12], [sflag:s0] =	dma.local [spmem:s30], $0x1400  }
0x19: {  	_ =	swait.ge [sflag:s28], $0x1400  }
0x1a: {  	[sflag:s28] =	ssyncset.done $0x0  }
0x1b: {  	[sflag:s28] =	ssyncadd.s32 $0xFFFFEC00  }
.LBB2_1:
0x1c: {  	[tilespmem:s14], [sflag:$0x1] =	stream.linear.gather [hbm4b:s5+s3], $0x2800, $0x38;
	[tilespmem:$0x13000] =	vst v63  }
0x1d: {  	s0 =	sand.u32 $0x7FC0, s3  }
0x1e: {  	s30 =	simm.s32 $0x40;
	s31 =	sshrl.u32 s0, $0x2  }
0x1f: {  	[tilespmem:s15], [sflag:$0x1] =	stream.linear.gather [hbm4b:s6+s3], $0x2800, $0x38;
	[tilespmem:$0x13000] =	vst v63  }
.LBB2_2:
0x20: {  	p0 =	sne.s32 s30, $0x7FC0;
	[tilespmem:s31+$0xF000] =	vst v0;
	s0 =	smov.u32 s30;
	s30 =	sadd.s32 $0x40, s30  }
.Ltmp2:
0x21: {  	(pc) =	sbr.rel @p0 .LBB2_2-.Ltmp2, $3  }
0x22: {  	_ =	sdelay $0x1  }
0x23: {  	s0 =	sand.u32 $0x7FC0, s0  }
0x24: {  	s31 =	sshrl.u32 s0, $0x2  }
0x25: {  	[tilespmem:s31+$0xF000] =	vst v0  }
0x26: {  	[spmem:s7] =	stream.linear.scatter [tilespmem:s16], [sflag:$0x4], $0x2000, $0x38;
	[tilespmem:$0x13000] =	vst v63  }
0x27: {  	_ = 	snop  }
0x28: {  	[spmem:s8] =	stream.linear.scatter [tilespmem:s16], [sflag:$0x4], $0x2000, $0x38;
	[tilespmem:$0x13000] =	vst v63  }
0x29: {  	_ = 	snop  }
0x2a: {  	[spmem:s9] =	stream.linear.scatter [tilespmem:s16], [sflag:$0x4], $0x2000, $0x38;
	[tilespmem:$0x13000] =	vst v63  }
0x2b: {  	_ = 	snop  }
0x2c: {  	[spmem:s10] =	stream.linear.scatter [tilespmem:s16], [sflag:$0x4], $0x2000, $0x38;
	[tilespmem:$0x13000] =	vst v63  }
0x2d: {  	_ = 	snop  }
0x2e: {  	[spmem:s11] =	stream.linear.scatter [tilespmem:s16], [sflag:$0x4], $0x2000, $0x38;
	[tilespmem:$0x13000] =	vst v63  }
0x2f: {  	_ =	swait.ge [sflag:s17], $0x2000  }
0x30: {  	[sflag:s17] =	ssyncset.done $0x0  }
0x31: {  	[sflag:s17] =	ssyncadd.s32 $0xFFFFE000  }
0x32: {  	_ =	swait.ge [sflag:s17], $0x2000  }
0x33: {  	[sflag:s17] =	ssyncset.done $0x0  }
0x34: {  	[sflag:s17] =	ssyncadd.s32 $0xFFFFE000  }
0x35: {  	_ =	swait.ge [sflag:s17], $0x2000  }
0x36: {  	[sflag:s17] =	ssyncset.done $0x0  }
0x37: {  	[sflag:s17] =	ssyncadd.s32 $0xFFFFE000  }
0x38: {  	_ =	swait.ge [sflag:s17], $0x2000  }
0x39: {  	[sflag:s17] =	ssyncset.done $0x0  }
0x3a: {  	[sflag:s17] =	ssyncadd.s32 $0xFFFFE000  }
0x3b: {  	_ =	swait.ge [sflag:s17], $0x2000  }
0x3c: {  	[sflag:s17] =	ssyncset.done $0x0  }
0x3d: {  	[sflag:s17] =	ssyncadd.s32 $0xFFFFE000  }
0x3e: {  	[bflag:$0x0] =	sbarrier.arrive $0xFFFF  }
0x3f: {  	_ =	swait.ge [sflag:s18], $0x2800  }
0x40: {  	[sflag:s18] =	ssyncset.done $0x0  }
0x41: {  	[sflag:s18] =	ssyncadd.s32 $0xFFFFD800  }
0x42: {  	_ =	swait.ge [sflag:s18], $0x2800  }
0x43: {  	[sflag:s18] =	ssyncset.done $0x0  }
0x44: {  	[sflag:s18] =	ssyncadd.s32 $0xFFFFD800  }
0x45: {  	[tilespmem:s16], [sflag:$0x2] =	stream.indirect.gather [hbm4b:s4+s19], $0x40, s14, s19, $0xb8;
	[tilespmem:$0x13000] =	vst v63  }
0x46: {  	_ =	swait.ge [sflag:s20], $0x2000  }
0x47: {  	[sflag:s20] =	ssyncset.done $0x0  }
0x48: {  	[sflag:s20] =	ssyncadd.s32 $0xFFFFE000  }
0x49: {  	[tilespmem:s22], [sflag:$0x3] =	stream.indirect.gather [hbm4b:s4+s19], $0x40, s21, s19, $0xb8;
	[tilespmem:$0x13000] =	vst v63  }
0x4a: {  	_ = 	snop  }
0x4b: {  	[spmem:s2] =	stream.indirect.scatter.add.f32 [tilespmem:s16], [sflag:$0x4], $0x40, s15, s19, $0xb8;
	[tilespmem:$0x13000] =	vst v63  }
0x4c: {  	_ =	swait.ge [sflag:s23], $0x2000  }
0x4d: {  	[sflag:s23] =	ssyncset.done $0x0  }
0x4e: {  	[sflag:s23] =	ssyncadd.s32 $0xFFFFE000  }
0x4f: {  	_ =	swait.ge [sflag:s17], $0x2000  }
0x50: {  	[sflag:s17] =	ssyncset.done $0x0  }
0x51: {  	[sflag:s17] =	ssyncadd.s32 $0xFFFFE000  }
0x52: {  	[tilespmem:s16], [sflag:$0x2] =	stream.indirect.gather [hbm4b:s4+s19], $0x40, s24, s19, $0xb8;
	[tilespmem:$0x13000] =	vst v63  }
0x53: {  	s30 =	simm.s32 $0xFFFF6800  }
0x54: {  	[spmem:s2] =	stream.indirect.scatter.add.f32 [tilespmem:s22], [sflag:$0x5], $0x40, s25, s19, $0xb8;
	[tilespmem:$0x13000] =	vst v63  }
.LBB2_4:
0x55: {  	_ =	swait.ge [sflag:s20], $0x2000  }
0x56: {  	[sflag:s20] =	ssyncset.done $0x0  }
0x57: {  	[sflag:s20] =	ssyncadd.s32 $0xFFFFE000  }
0x58: {  	_ =	swait.ge [sflag:s26], $0x2000  }
0x59: {  	s31 =	sshra.s32 s30, $0x2;
	[sflag:s26] =	ssyncset.done $0x0  }
0x5a: {  	s0 =	sadd.s32 $0xC780, s31;
	[sflag:s26] =	ssyncadd.s32 $0xFFFFE000  }
0x5b: {  	[tilespmem:s22], [sflag:$0x3] =	stream.indirect.gather [hbm4b:s4+s19], $0x40, s0, s19, $0xb8;
	[tilespmem:$0x13000] =	vst v63  }
0x5c: {  	s0 =	sadd.s32 $0xEF00, s31  }
0x5d: {  	[spmem:s2] =	stream.indirect.scatter.add.f32 [tilespmem:s16], [sflag:$0x4], $0x40, s0, s19, $0xb8;
	[tilespmem:$0x13000] =	vst v63  }
0x5e: {  	p0 =	seq.s32 s30, $0x0;
	_ =	swait.ge [sflag:s23], $0x2000  }
.Ltmp3:
0x5f: {  	[sflag:s23] =	ssyncset.done $0x0;
	(pc) =	sbr.rel @p0 .LBB2_6-.Ltmp3, $4  }
0x60: {  	[sflag:s23] =	ssyncadd.s32 $0xFFFFE000  }
0x61: {  	_ =	swait.ge [sflag:s17], $0x2000  }
0x62: {  	[sflag:s17] =	ssyncset.done $0x0  }
0x63: {  	s0 =	sadd.s32 $0xEF80, s31;
	[sflag:s17] =	ssyncadd.s32 $0xFFFFE000  }
.Ltmp4:
0x64: {  	(pc) =	sbr.rel .LBB2_4-.Ltmp4, $4  }
0x65: {  	s31 =	sadd.s32 $0xC800, s31  }
0x66: {  	[tilespmem:s16], [sflag:$0x2] =	stream.indirect.gather [hbm4b:s4+s19], $0x40, s31, s19, $0xb8;
	[tilespmem:$0x13000] =	vst v63  }
0x67: {  	s30 =	sadd.s32 $0x400, s30  }
0x68: {  	[spmem:s2] =	stream.indirect.scatter.add.f32 [tilespmem:s22], [sflag:$0x5], $0x40, s0, s19, $0xb8;
	[tilespmem:$0x13000] =	vst v63  }
.LBB2_7:
0x69: {  	_ =	sfence.sel $0x180000  }
0x6a: {  	[bflag:$0x0] =	sbarrier.arrive $0xFFFF  }
0x6b: {  	_ =	strace $0x9000004D  }
0x6c: {  	[bflag:$0x2] =	sbarrier.arrive $0xFFFF  }
0x6d: {  	p0 =	sne.s32 s1, $0x0;
	s0 =	rddreg [dreg:$0x2]  }
0x6e: {  	s0 =	sadd.s32 @!p0 $0x100000, s0  }
0x6f: {  	[sflag:s0] =	ssyncadd.tile.s32 @!p0 $0x1;
	_ =	shalt  }
.Lfunc_end2:
_tile_overlayer_lowered:
.L_overlay_start_2:
0x70: {  	(tag) =	ssettag $0x2  }
0x71: {  	s0 =	rddreg [dreg:$0x0];
	s2 =	stileid.u32  }
0x72: {  	s1 =	rddreg [dreg:$0x1];
	p0 =	sne.s32 s2, $0x0  }
0x73: {  	s3 =	rddreg [dreg:$0x2];
	[bflag:$0x3] =	sbarrier.arrive $0xFFFF;
	s2 =	simm.s32 @!p0 $0x1C06  }
0x74: {  	[timem:s3], [sflag:s2] =	dma.local @!p0 [hbm:s0], s1  }
0x75: {  	s0 =	simm.s32 @!p0 $0x6  }
0x76: {  	_ =	swait.ge @!p0 [sflag:s0], s1  }
0x77: {  	s1 =	ssub.s32 @!p0 $0x0, s1;
	[sflag:s0] =	ssyncset.done @!p0 $0x0  }
0x78: {  	[sflag:s0] =	ssyncadd.s32 @!p0 s1  }
0x79: {  	[bflag:$0x3] =	sbarrier.arrive $0xFFFF  }
0x7a: {  	_ =	shalt  }

// kernel: kernel.8.cloned.1.call-start
scs
__scs_entry_jumppad:
0x0: {  	(pc) =	sbr.rel $0x88, $3  }
0x1: {  	(tag) =	ssettag $0x0;
	lr =	simm.s32 $0x1  }
0x2: {  	[smem:$0x3F99] =	sst lr;
	_ =	strace $0xD0000000  }
0x3: {  	_ = 	snop  }
0x4: {  	_ = 	snop  }
0x5: {  	_ = 	snop  }
0x6: {  	_ = 	snop  }
0x7: {  	_ = 	snop  }
__scs_overlays_trampoline_lowered:
0x8: {  	[smem:$0x3FA8] =	sst s0  }
0x9: {  	[smem:$0x3FA9] =	sst s1  }
0xa: {  	[smem:$0x3FAA] =	sst s2  }
0xb: {  	[smem:$0x3FAB] =	sst s3  }
0xc: {  	[smem:$0x3FAC] =	sst s4  }
0xd: {  	[smem:$0x3FAD] =	sst s5  }
0xe: {  	[smem:$0x3FAE] =	sst s6  }
0xf: {  	[smem:$0x3FAF] =	sst s7  }
0x10: {  	[smem:$0x3FB0] =	sst s8  }
0x11: {  	[smem:$0x3FB1] =	sst s9;
	s0 =	simm.s32 @!p0 $0x0  }
0x12: {  	s1 =	sld [smem:$0x3F97];
	s0 =	simm.s32 @p0 $0x1  }
0x13: {  	[smem:$0x3FB2] =	sst s0;
	s0 =	simm.s32 @!p1 $0x0  }
0x14: {  	s2 =	sld [smem:$0x3F96];
	s0 =	simm.s32 @p1 $0x1  }
0x15: {  	[smem:$0x3FB3] =	sst s0;
	s0 =	simm.s32 @!p2 $0x0  }
0x16: {  	s3 =	sld [smem:$0x3FDB];
	s0 =	simm.s32 @p2 $0x1  }
0x17: {  	s4 =	simm.s32 $0x1BF5;
	[smem:$0x3FB5] =	sst s0  }
0x18: {  	s0 =	sld [smem:$0x3F98];
	_ =	swait.ge [sflag:s4], $0x0  }
0x19: {  	s7 =	sld [smem:$0x3F99]  }
0x1a: {  	s8 =	sadd.s32 $0xFFFFE003, lr  }
0x1b: {  	s9 =	sadd.s32 $0xFFFFFEF7, lr;
	s5 =	simm.s32 $0xFFFFFFFF;
	p2 =	slt.u32 s8, $0xFFFFF086  }
0x1c: {  	p1 =	slt.u32 s9, $0xF7A;
	s5 =	simm.s32 @!p2 $0x0  }
0x1d: {  	s5 =	simm.s32 @p1 $0x1;
	p0 =	seq.s32 s7, s2  }
0x1e: {  	s7 =	smul.u32 @!p0 $0xF7A, s2;
	p2 =	seq.s32 @!p0 s5, $0x0  }
0x1f: {  	s9 =	smul.u32 $0xF7A, s1;
	s8 =	simm.s32 @!p0 $0x1BF5;
	p2 =	por !p2, p0  }
0x20: {  	[sflag:s8] =	ssyncset.s32 @!p0 $0xFFFFF086;
	s6 =	sadd.s32 @!p0 s3, s7;
	s7 =	simm.s32 @!p0 $0x108  }
0x21: {  	s3 =	sadd.s32 s3, s9;
	s6 =	sadd.s32 @!p0 $0x88, s6;
	s7 =	simm.s32 @p2 $0x1082  }
0x22: {  	[simem:s7], [sflag:s8] =	dma.local @!p0 [hbm:s6], $0xF7A  }
0x23: {  	s9 =	sor.u32 $0xD0000000, s2;
	s6 =	simm.s32 $0x108;
	_ =	swait.ge @!p0 [sflag:s8], $0x0  }
0x24: {  	s3 =	sadd.s32 $0x88, s3;
	s6 =	simm.s32 @!p1 $0x1082;
	[sflag:s4] =	ssyncset.s32 $0xFFFFF086  }
0x25: {  	[simem:s6], [sflag:s4] =	dma.local [hbm:s3], $0xF7A  }
0x26: {  	[smem:$0x3F99] =	sst s1;
	(tag) =	ssettag s2;
	_ =	strace s9  }
0x27: {  	s1 =	sld [smem:$0x3FA9]  }
0x28: {  	s2 =	sld [smem:$0x3FAA]  }
0x29: {  	s4 =	sld [smem:$0x3FAC]  }
0x2a: {  	p0 =	seq.s32 s5, $0x0;
	s5 =	sld [smem:$0x3FAD]  }
0x2b: {  	s6 =	sld [smem:$0x3FAE]  }
0x2c: {  	s7 =	sld [smem:$0x3FAF]  }
0x2d: {  	s3 =	simm.s32 $0x108;
	s8 =	sld [smem:$0x3FB0]  }
0x2e: {  	s3 =	simm.s32 @!p0 $0x1082;
	s9 =	sld [smem:$0x3FB1]  }
0x2f: {  	lr =	sadd.s32 s0, s3;
	s0 =	sld [smem:$0x3FA8]  }
0x30: {  	s3 =	sld [smem:$0x3FAB]  }
0x31: {  	[smem:$0x3FB4] =	sst s10  }
0x32: {  	s10 =	sld [smem:$0x3FB2];
	_ =	sdelay $0x3  }
0x33: {  	p0 =	seq.s32 s10, $0x1;
	s10 =	sld [smem:$0x3FB4];
	_ =	sdelay $0x3  }
0x34: {  	[smem:$0x3FB4] =	sst s10  }
0x35: {  	s10 =	sld [smem:$0x3FB3];
	_ =	sdelay $0x3  }
0x36: {  	p1 =	seq.s32 s10, $0x1;
	s10 =	sld [smem:$0x3FB4];
	_ =	sdelay $0x3  }
0x37: {  	[smem:$0x3FB4] =	sst s10  }
0x38: {  	s10 =	sld [smem:$0x3FB5]  }
0x39: {  	_ = 	snop;
	(pc) =	sbr.ind lr, $3  }
0x3a: {  	_ = 	snop  }
0x3b: {  	_ = 	snop  }
0x3c: {  	p2 =	seq.s32 s10, $0x1;
	s10 =	sld [smem:$0x3FB4]  }
0x3d: {  	_ =	shalt  }
0x3e: {  	_ =	shalt  }
0x3f: {  	_ =	shalt  }
0x40: {  	_ =	shalt  }
0x41: {  	_ =	shalt  }
0x42: {  	_ =	shalt  }
0x43: {  	_ =	shalt  }
0x44: {  	_ =	shalt  }
0x45: {  	_ =	shalt  }
0x46: {  	_ =	shalt  }
0x47: {  	_ =	shalt  }
0x48: {  	_ =	shalt  }
0x49: {  	_ =	shalt  }
0x4a: {  	_ =	shalt  }
0x4b: {  	_ =	shalt  }
0x4c: {  	_ =	shalt  }
0x4d: {  	_ =	shalt  }
0x4e: {  	_ =	shalt  }
0x4f: {  	_ =	shalt  }
0x50: {  	_ =	shalt  }
0x51: {  	_ =	shalt  }
0x52: {  	_ =	shalt  }
0x53: {  	_ =	shalt  }
0x54: {  	_ =	shalt  }
0x55: {  	_ =	shalt  }
0x56: {  	_ =	shalt  }
0x57: {  	_ =	shalt  }
0x58: {  	_ =	shalt  }
0x59: {  	_ =	shalt  }
0x5a: {  	_ =	shalt  }
0x5b: {  	_ =	shalt  }
0x5c: {  	_ =	shalt  }
0x5d: {  	_ =	shalt  }
0x5e: {  	_ =	shalt  }
0x5f: {  	_ =	shalt  }
0x60: {  	_ =	shalt  }
0x61: {  	_ =	shalt  }
0x62: {  	_ =	shalt  }
0x63: {  	_ =	shalt  }
0x64: {  	_ =	shalt  }
0x65: {  	_ =	shalt  }
0x66: {  	_ =	shalt  }
0x67: {  	_ =	shalt  }
0x68: {  	_ =	shalt  }
0x69: {  	_ =	shalt  }
0x6a: {  	_ =	shalt  }
0x6b: {  	_ =	shalt  }
0x6c: {  	_ =	shalt  }
0x6d: {  	_ =	shalt  }
0x6e: {  	_ =	shalt  }
0x6f: {  	_ =	shalt  }
0x70: {  	_ =	shalt  }
0x71: {  	_ =	shalt  }
0x72: {  	_ =	shalt  }
0x73: {  	_ =	shalt  }
0x74: {  	_ =	shalt  }
0x75: {  	_ =	shalt  }
0x76: {  	_ =	shalt  }
0x77: {  	_ =	shalt  }
0x78: {  	_ =	shalt  }
0x79: {  	_ =	shalt  }
0x7a: {  	_ =	shalt  }
0x7b: {  	_ =	shalt  }
0x7c: {  	_ =	shalt  }
0x7d: {  	_ =	shalt  }
0x7e: {  	_ =	shalt  }
0x7f: {  	_ =	shalt  }
0x80: {  	_ =	shalt  }
0x81: {  	_ =	shalt  }
0x82: {  	_ =	shalt  }
0x83: {  	_ =	shalt  }
0x84: {  	_ =	shalt  }
0x85: {  	_ =	shalt  }
0x86: {  	_ =	shalt  }
0x87: {  	_ =	shalt  }
.Lfunc_end0:
.L_simem_size_0:
called_computation_lowered:
.L_overlay_start_0:
0x88: {  	s2 =	sld [smem:$0x3FD9]  }
0x89: {  	s3 =	sld [smem:$0x3FFE];
	_ =	sdelay $0x1  }
0x8a: {  	s1 =	srdreg.scid  }
0x8b: {  	s0 =	sand.u32 $0x1, s1  }
0x8c: {  	s17 =	sshll.u32 s0, $0xA;
	s2 =	sadd.s32 s3, s2  }
0x8d: {  	s2 =	sadd.s32 s2, s17  }
0x8e: {  	[smem:$0x3FC0] =	sst s2  }
0x8f: {  	_ = 	snop  }
0x90: {  	s2 =	sld [smem:$0x3FD0];
	(tm) =	ssettm $0x1  }
0x91: {  	s18 =	sld [smem:$0x3FFB];
	_ =	sdelay $0x3  }
0x92: {  	_ =	strace s18  }
0x93: {  	s3 =	sld [smem:$0x3FFC];
	_ =	sdelay $0x3  }
0x94: {  	_ =	strace s3  }
0x95: {  	s3 =	sld [smem:$0x3FFD];
	_ =	sdelay $0x3  }
0x96: {  	_ =	strace s3  }
0x97: {  	_ =	strace $0x8FFFFFFF  }
0x98: {  	s19 =	sld [smem:$0x3FDB];
	_ =	sdelay $0x1  }
0x99: {  	s4 =	simm.s32 $_scs_section_size  }
0x9a: {  	s5 =	simm.s32 $_size__tile_overlayer_lowered;
	s6 =	simm.s32 $_tile_overlayer_lowered  }
0x9b: {  	s22 =	simm.s32 $0x1BFF;
	s21 =	sshll.u32 s6, $0x1;
	s3 =	sadd.s32 s4, s19  }
0x9c: {  	s7 =	simm.s32 $0x0;
	s20 =	sshll.u32 s5, $0x1;
	s5 =	sadd.s32 s21, s3  }
0x9d: {  	[timem:s7], [sflag:s22] =	dma.local [hbm:s5], s20  }
0x9e: {  	_ =	swait.ge [sflag:s22], s20  }
0x9f: {  	s4 =	ssub.s32 $0x0, s20;
	[sflag:s22] =	ssyncset.done $0x0  }
0xa0: {  	[sflag:s22] =	ssyncadd.s32 s4;
	_ =	sdelay $0x1  }
0xa1: {  	s23 =	simm.s32 $0x1B8B  }
0xa2: {  	_ =	swait.ge [sflag:s23], $0x1  }
0xa3: {  	[sflag:s23] =	ssyncset.done $0x0  }
0xa4: {  	s25 =	simm.s32 $0x1B8E;
	s24 =	sld [smem:$0x3FFE];
	[sflag:s23] =	ssyncadd.s32 $0xFFFFFFFF  }
0xa5: {  	s26 =	simm.s32 $execute0_lowered;
	[smem:$0x3FD2] =	sst s25  }
0xa6: {  	s5 =	sshll.u32 s26, $0x1;
	_ =	strace $0x80000046;
	[dreg:$0x1] =	wrdreg $0xFFFFFFFF  }
0xa7: {  	s28 =	simm.s32 $_size_execute0_lowered;
	s3 =	sadd.s32 s3, s5;
	[dreg:$0x0] =	wrdreg $0x0  }
0xa8: {  	s5 =	sshll.u32 s28, $0x1;
	[dreg:$0x2] =	wrdreg s3  }
0xa9: {  	[dreg:$0x3] =	wrdreg s5  }
0xaa: {  	[dreg:$0x4] =	wrdreg $0xC0  }
0xab: {  	_ =	task [dreg:s7], $0x5FFFF  }
0xac: {  	[dreg:$0x1] =	wrdreg $0xFFFFFFFF  }
0xad: {  	[dreg:$0x0] =	wrdreg $0x60  }
0xae: {  	[dreg:$0x2] =	wrdreg s24  }
0xaf: {  	[dreg:$0x3] =	wrdreg s2  }
0xb0: {  	[dreg:$0x4] =	wrdreg $0x0  }
0xb1: {  	[dreg:$0x5] =	wrdreg $0x9  }
0xb2: {  	_ =	task.clear_ibuf [dreg:s7], $0x6FFFF;
	_ =	strace $0x90000046  }
0xb3: {  	s29 =	simm.s32 $0x9;
	_ =	strace $0x80000048  }
0xb4: {  	_ =	swait.ge [sflag:s29], $0x1  }
0xb5: {  	[sflag:s29] =	ssyncadd.s32 $0xFFFFFFFF  }
0xb6: {  	_ =	strace $0x90000048  }
0xb7: {  	_ =	sfence  }
0xb8: {  	s30 =	sld [smem:$0x0];
	_ =	sdelay $0x2  }
0xb9: {  	s31 =	sshll.u32 s1, $0xD;
	s1 =	sshrl.u32 s1, $0x2  }
0xba: {  	s3 =	sand.u32 $0x4000, s31;
	s1 =	sadd.s32 s1, s30  }
0xbb: {  	s0 =	sor.u32 s3, s0;
	s1 =	sshll.u32 s1, $0x11  }
0xbc: {  	s0 =	sor.u32 s1, s0  }
0xbd: {  	s0 =	sadd.s32 $0x8F2B, s0  }
0xbe: {  	[sflag:s0] =	ssyncadd.remote.s32 $0x1  }
0xbf: {  	_ =	sfence.sel $0xFFFF  }
0xc0: {  	[dreg:$0x0] =	wrdreg $0xFFFFFFFF;
	(pc) =	sbr.abs _section_cstart, $3  }
0xc1: {  	[dreg:$0x1] =	wrdreg $0xFFFFFFFF  }
0xc2: {  	_ =	task.clear_ibuf [dreg:s7], $0x2FFFF;
	_ =	strace $0x9FFFFFFF  }
0xc3: {  	(tm) =	ssettm $0x7FFFFFFF  }
tec
execute0_lowered:
.L_overlay_start_1:
0x0: {  	(tag) =	ssettag $0x1  }
0x1: {  	s4 =	rddreg [dreg:$0x0]  }
0x2: {  	s6 =	rddreg [dreg:$0x1]  }
0x3: {  	s0 =	srdreg.scid;
	s2 =	rddreg [dreg:$0x2]  }
0x4: {  	s3 =	simm.s32 $0x0;
	s11 =	simm.s32 $0x1;
	s12 =	simm.s32 $0x80  }
0x5: {  	s13 =	simm.s32 $0x2A80;
	s14 =	simm.s32 $0x2;
	s17 =	simm.s32 $0x20  }
0x6: {  	s18 =	simm.s32 $0x10;
	s5 =	sand.u32 $0x1, s0;
	s0 =	stileid.u32  }
0x7: {  	s19 =	simm.s32 $0x0;
	[smem:$0x7FF] =	sst s3;
	s8 =	smul.u32 $0xA00, s0  }
0x8: {  	s1 =	sshll.u32 s5, $0x4;
	s9 =	ssub.s32 $0x2, s5;
	s10 =	smul.u32 $0x500, s0  }
0x9: {  	s5 =	sshll.u32 s5, $0x7;
	s15 =	sshll.u32 s0, $0x6;
	s7 =	sor.u32 s0, s1  }
0xa: {  	s1 =	rddreg [dreg:$0x3];
	_ =	strace $0x80000047;
	s29 =	sshrl.u32 s9, $0x1  }
0xb: {  	s15 =	sor.u32 $0x1C03, s15;
	s7 =	smul.u32 $0x500, s7;
	s8 =	sshrl.u32 s8, $0x2  }
0xc: {  	s30 =	sor.u32 s5, s10;
	s10 =	simm.s32 $0x3;
	s5 =	sadd.s32 s8, s2  }
0xd: {  	s31 =	sshrl.u32 s30, $0x3;
	s8 =	simm.s32 $0x280;
	s4 =	sadd.s32 s7, s4  }
0xe: {  	s7 =	ssub.s32 s9, s29;
	s6 =	sadd.s32 s6, s31;
	s9 =	simm.s32 $0x2B00  }
0xf: {  	v0 =	vimm.f32 $0.0e+00;
	v1 =	vimm.f32 $1.000000000e+00;
	s16 =	sshrl.u32 s5, $0x3;
	s4 =	sadd.s32 $0x2800, s4;
	s7 =	smax.u32 s7, $0x1  }
.LBB2_1:
0x10: {  	[tilespmem:s8], [sflag:$0x1] =	stream.linear.gather [hbm4b:s4+s3], $0x2800, $0x38;
	[tilespmem:$0x2D80] =	vst v63  }
0x11: {  	[tilespmem:$0x2B00] =	vst v0  }
0x12: {  	[tilespmem:$0x2B10] =	vst v0  }
0x13: {  	[tilespmem:$0x2B20] =	vst v0  }
0x14: {  	[tilespmem:$0x2B30] =	vst v0  }
0x15: {  	[tilespmem:$0x2B40] =	vst v0  }
0x16: {  	[tilespmem:$0x2B50] =	vst v0  }
0x17: {  	[tilespmem:$0x2B60] =	vst v0  }
0x18: {  	[tilespmem:$0x2B70] =	vst v0  }
0x19: {  	[tilespmem:$0x2B80] =	vst v0  }
0x1a: {  	[tilespmem:$0x2B90] =	vst v0  }
0x1b: {  	[tilespmem:$0x2BA0] =	vst v0  }
0x1c: {  	[tilespmem:$0x2BB0] =	vst v0  }
0x1d: {  	[tilespmem:$0x2BC0] =	vst v0  }
0x1e: {  	[tilespmem:$0x2BD0] =	vst v0  }
0x1f: {  	[tilespmem:$0x2BE0] =	vst v0  }
0x20: {  	[tilespmem:$0x2BF0] =	vst v0  }
0x21: {  	[tilespmem:$0x2C00] =	vst v0  }
0x22: {  	[tilespmem:$0x2C10] =	vst v0  }
0x23: {  	[tilespmem:$0x2C20] =	vst v0  }
0x24: {  	[tilespmem:$0x2C30] =	vst v0  }
0x25: {  	[tilespmem:$0x2C40] =	vst v0  }
0x26: {  	[tilespmem:$0x2C50] =	vst v0  }
0x27: {  	[tilespmem:$0x2C60] =	vst v0  }
0x28: {  	[tilespmem:$0x2C70] =	vst v0  }
0x29: {  	[tilespmem:$0x2C80] =	vst v0  }
0x2a: {  	[tilespmem:$0x2C90] =	vst v0  }
0x2b: {  	[tilespmem:$0x2CA0] =	vst v0  }
0x2c: {  	[tilespmem:$0x2CB0] =	vst v0  }
0x2d: {  	[tilespmem:$0x2CC0] =	vst v0  }
0x2e: {  	[tilespmem:$0x2CD0] =	vst v0  }
0x2f: {  	[tilespmem:$0x2CE0] =	vst v0  }
0x30: {  	[tilespmem:$0x2CF0] =	vst v0  }
0x31: {  	[tilespmem:$0x2D00] =	vst v0  }
0x32: {  	[tilespmem:$0x2D10] =	vst v0  }
0x33: {  	[tilespmem:$0x2D20] =	vst v0  }
0x34: {  	[tilespmem:$0x2D30] =	vst v0  }
0x35: {  	[tilespmem:$0x2D40] =	vst v0  }
0x36: {  	[tilespmem:$0x2D50] =	vst v0  }
0x37: {  	[tilespmem:$0x2D60] =	vst v0  }
0x38: {  	[tilespmem:$0x2D70] =	vst v0  }
0x39: {  	[tilespmem:$0x2A80] =	vst v1  }
0x3a: {  	[tilespmem:$0x2A90] =	vst v1  }
0x3b: {  	[tilespmem:$0x2AA0] =	vst v1  }
0x3c: {  	[tilespmem:$0x2AB0] =	vst v1  }
0x3d: {  	[tilespmem:$0x2AC0] =	vst v1  }
0x3e: {  	[tilespmem:$0x2AD0] =	vst v1  }
0x3f: {  	[tilespmem:$0x2AE0] =	vst v1  }
0x40: {  	[tilespmem:$0x2AF0] =	vst v1  }
0x41: {  	[spmem:s5] =	stream.linear.scatter [tilespmem:s9], [sflag:$0x3], $0x280, $0x38;
	[tilespmem:$0x2D80] =	vst v63  }
0x42: {  	_ =	swait.ge [sflag:s10], $0x280  }
0x43: {  	[sflag:s10] =	ssyncset.done $0x0  }
0x44: {  	[sflag:s10] =	ssyncadd.s32 $0xFFFFFD80  }
0x45: {  	_ =	swait.ge [sflag:s11], $0x2800  }
0x46: {  	[sflag:s11] =	ssyncset.done $0x0  }
0x47: {  	[sflag:s11] =	ssyncadd.s32 $0xFFFFD800  }
0x48: {  	s20 =	simm.s32 $0x0;
	[bflag:$0x0] =	sbarrier.arrive $0xFFFF  }
.LBB2_2:
0x49: {  	p0 =	sne.s32 s20, $0x9E00  }
.Ltmp0:
0x4a: {  	_ = 	snop;
	(pc) =	sbr.rel @p0 .LBB2_2-.Ltmp0, $4  }
0x4b: {  	_ = 	snop  }
0x4c: {  	s21 =	sshra.s32 s20, $0x2  }
0x4d: {  	s20 =	sadd.s32 $0x200, s20;
	s21 =	sadd.s32 $0x280, s21  }
0x4e: {  	[spmem:s2] =	stream.indirect.scatter.add.f32 [tilespmem:s13], [sflag:$0x2], $0x1, s21, s12, $0xb8;
	[tilespmem:$0x2D80] =	vst v63  }
0x4f: {  	_ =	swait.ge [sflag:s14], $0x80  }
0x50: {  	s20 =	simm.s32 $0x4F;
	[sflag:s14] =	ssyncset.done $0x0  }
.LBB2_4:
0x51: {  	p0 =	sne.s32 s20, $0x1;
	s20 =	sadd.s32 $0xFFFFFFFF, s20;
	[sflag:s14] =	ssyncadd.s32 $0xFFFFFF80  }
.Ltmp1:
0x52: {  	(pc) =	sbr.rel @p0 .LBB2_4-.Ltmp1, $3  }
0x53: {  	_ =	sdelay $0x1  }
0x54: {  	_ =	swait.ge [sflag:s14], $0x80  }
0x55: {  	[sflag:s14] =	ssyncset.done $0x0  }
0x56: {  	s19 =	sadd.s32 $0x1, s19  }
0x57: {  	[sflag:s14] =	ssyncadd.s32 $0xFFFFFF80;
	p0 =	sne.s32 s19, s7  }
.Ltmp2:
0x58: {  	[bflag:$0x0] =	sbarrier.arrive $0xFFFF;
	(pc) =	sbr.rel @p0 .LBB2_1-.Ltmp2, $4  }
0x59: {  	[hbm:s6@s17], [sflag:s15] =	dma.strided [spmem:s16@s18], $0x50, s11, $0x10   }
0x5a: {  	_ =	swait.ge [sflag:s10], $0x50  }
0x5b: {  	[sflag:s10] =	ssyncset.done $0x0  }
0x5c: {  	[sflag:s10] =	ssyncadd.s32 $0xFFFFFFB0  }
0x5d: {  	_ =	sfence.sel $0x180000  }
0x5e: {  	[bflag:$0x0] =	sbarrier.arrive $0xFFFF  }
0x5f: {  	p0 =	sne.s32 s0, $0x0;
	_ =	strace $0x90000047  }
0x60: {  	s0 =	sadd.s32 @!p0 $0x100000, s1;
	[bflag:$0x2] =	sbarrier.arrive $0xFFFF  }
0x61: {  	[sflag:s0] =	ssyncadd.tile.s32 @!p0 $0x1;
	_ =	shalt  }
.Lfunc_end2:
_tile_overlayer_lowered:
.L_overlay_start_2:
0x62: {  	(tag) =	ssettag $0x2  }
0x63: {  	s0 =	rddreg [dreg:$0x0];
	s2 =	stileid.u32  }
0x64: {  	s1 =	rddreg [dreg:$0x1];
	p0 =	sne.s32 s2, $0x0  }
0x65: {  	s3 =	rddreg [dreg:$0x2];
	[bflag:$0x3] =	sbarrier.arrive $0xFFFF;
	s2 =	simm.s32 @!p0 $0x1C03  }
0x66: {  	[timem:s3], [sflag:s2] =	dma.local @!p0 [hbm:s0], s1  }
0x67: {  	s0 =	simm.s32 @!p0 $0x3  }
0x68: {  	_ =	swait.ge @!p0 [sflag:s0], s1  }
0x69: {  	s1 =	ssub.s32 @!p0 $0x0, s1;
	[sflag:s0] =	ssyncset.done @!p0 $0x0  }
0x6a: {  	[sflag:s0] =	ssyncadd.s32 @!p0 s1  }
0x6b: {  	[bflag:$0x3] =	sbarrier.arrive $0xFFFF  }
0x6c: {  	_ =	shalt  }

</sc_bundles>
